<compile_context>
chip_gen: v7x
topology: tpu7x:2x2x1
jax: 0.10.2.dev20260603
libtpu: 0.0.44.dev20260713+nightly
codegen_flags: <defaults>
</compile_context>

<pallas_src>
import functools

import jax
import jax.numpy as jnp
from jax import lax
from jax.experimental import pallas as pl
from jax.experimental.pallas import tpu as pltpu
from jax.experimental.pallas import tpu_sc as plsc

N = 10000
E = 320000
DF = 128
H = 64
NG = 128
NT = 10

NC = 2
NS = 16
CHUNK = 128
NCH = 80
EPAD = NC * NS * NCH * CHUNK
ZROW = N
RPT = 632
NPAD = NS * RPT

_mesh = plsc.VectorSubcoreMesh(core_axis_name="c", subcore_axis_name="s")



DW = 16


def _deg_body(dsts, ones_hbm, zeros1, out, dst_v, ones_v, acc):
    c = lax.axis_index("c")
    s = lax.axis_index("s")
    r0 = s * RPT
    pltpu.sync_copy(zeros1.at[pl.ds(r0, RPT)], acc.at[pl.ds(r0, RPT)])
    pltpu.sync_copy(ones_hbm, ones_v)
    pltpu.sync_copy(dsts.at[c, s], dst_v)
    plsc.subcore_barrier()

    def body(j, carry):
        pltpu.sync_copy(ones_v, acc.at[dst_v.at[j]], add=True)
        return carry

    lax.fori_loop(0, NCH, body, 0)
    plsc.subcore_barrier()
    pltpu.sync_copy(acc.at[pl.ds(r0, RPT)], out.at[c, pl.ds(r0, RPT)])


_deg_call = pl.kernel(
    _deg_body,
    out_type=jax.ShapeDtypeStruct((NC, NPAD, DW), jnp.float32),
    mesh=_mesh,
    scratch_types=[
        pltpu.VMEM((NCH, CHUNK), jnp.int32),
        pltpu.VMEM((CHUNK, DW), jnp.float32),
        pltpu.VMEM_SHARED((NPAD, DW), jnp.float32),
    ],
    compiler_params=pltpu.CompilerParams(use_tc_tiling_on_sc=False),
)



def _prop_body(table, srcs, dsts, zeros, out, src_v, dst_v, rows0, rows1,
               tbl_s, acc, sem0, sem1):
    c = lax.axis_index("c")
    s = lax.axis_index("s")
    r0 = s * RPT
    pltpu.sync_copy(table.at[pl.ds(r0, RPT)], tbl_s.at[pl.ds(r0, RPT)])
    pltpu.sync_copy(zeros.at[pl.ds(r0, RPT)], acc.at[pl.ds(r0, RPT)])
    pltpu.sync_copy(srcs.at[c, s], src_v)
    pltpu.sync_copy(dsts.at[c, s], dst_v)
    plsc.subcore_barrier()

    pltpu.async_copy(tbl_s.at[src_v.at[0]], rows0, sem0)

    def body(j2, carry):
        j = j2 * 2
        pltpu.async_copy(tbl_s.at[src_v.at[j + 1]], rows1, sem1)
        pltpu.make_async_copy(tbl_s.at[src_v.at[j]], rows0, sem0).wait()
        pltpu.sync_copy(rows0, acc.at[dst_v.at[j]], add=True)

        @pl.when(j2 < NCH // 2 - 1)
        def _():
            pltpu.async_copy(tbl_s.at[src_v.at[j + 2]], rows0, sem0)

        pltpu.make_async_copy(tbl_s.at[src_v.at[j + 1]], rows1, sem1).wait()
        pltpu.sync_copy(rows1, acc.at[dst_v.at[j + 1]], add=True)
        return carry

    lax.fori_loop(0, NCH // 2, body, 0)
    plsc.subcore_barrier()
    pltpu.sync_copy(acc.at[pl.ds(r0, RPT)], out.at[c, pl.ds(r0, RPT)])


_prop_call = pl.kernel(
    _prop_body,
    out_type=jax.ShapeDtypeStruct((NC, NPAD, H), jnp.float32),
    mesh=_mesh,
    scratch_types=[
        pltpu.VMEM((NCH, CHUNK), jnp.int32),
        pltpu.VMEM((NCH, CHUNK), jnp.int32),
        pltpu.VMEM((CHUNK, H), jnp.float32),
        pltpu.VMEM((CHUNK, H), jnp.float32),
        pltpu.VMEM_SHARED((NPAD, H), jnp.float32),
        pltpu.VMEM_SHARED((NPAD, H), jnp.float32),
        pltpu.SemaphoreType.DMA,
        pltpu.SemaphoreType.DMA,
    ],
    compiler_params=pltpu.CompilerParams(use_tc_tiling_on_sc=False),
)



def _mm_body(x_ref, w1_ref, xw_ref):
    xw_ref[...] = jnp.dot(x_ref[...], w1_ref[...],
                          preferred_element_type=jnp.float32,
                          precision=lax.Precision.HIGHEST)


_mm_call = pl.pallas_call(
    _mm_body,
    out_shape=jax.ShapeDtypeStruct((NPAD, H), jnp.float32),
)


def _scale_body(xw_ref, degp_ref, xs_ref, dis_ref):
    deg = degp_ref[0, :, 0:1] + degp_ref[1, :, 0:1] + 1.0
    dis = lax.rsqrt(deg)
    xs_ref[...] = xw_ref[...] * dis
    dis_ref[...] = dis


_scale_call = pl.pallas_call(
    _scale_body,
    out_shape=(
        jax.ShapeDtypeStruct((NPAD, H), jnp.float32),
        jax.ShapeDtypeStruct((NPAD, 1), jnp.float32),
    ),
)



def _mid_body(tp_ref, xs_ref, dis_ref, b1_ref, xs2_ref):
    dis = dis_ref[...]
    t = tp_ref[0] + tp_ref[1] + xs_ref[...]
    h1 = t * dis + b1_ref[...]
    rows = lax.broadcasted_iota(jnp.int32, (NPAD, 1), 0)
    xs2_ref[...] = jnp.where(rows < N, h1 * dis, 0.0)


_mid_call = pl.pallas_call(
    _mid_body,
    out_shape=jax.ShapeDtypeStruct((NPAD, H), jnp.float32),
)



def _final_body(tp_ref, xs2_ref, dis_ref, batch_ref, w2_ref, b2_ref,
                wm1_ref, bm1_ref, wm2_ref, bm2_ref, out_ref):
    y = (tp_ref[0] + tp_ref[1] + xs2_ref[...]) * dis_ref[...]
    gid = lax.broadcasted_iota(jnp.int32, (NPAD, NG), 1)
    onehot = (batch_ref[...] == gid).astype(jnp.float32)
    dn = (((0,), (0,)), ((), ()))
    p = lax.dot_general(onehot, y, dn,
                        preferred_element_type=jnp.float32,
                        precision=lax.Precision.HIGHEST)
    ones = jnp.ones((NPAD, 1), jnp.float32)
    n = lax.dot_general(onehot, ones, dn,
                        preferred_element_type=jnp.float32,
                        precision=lax.Precision.HIGHEST)
    g = jnp.dot(p, w2_ref[...], preferred_element_type=jnp.float32,
                precision=lax.Precision.HIGHEST) + n * b2_ref[...]
    z = jax.nn.relu(jnp.dot(g, wm1_ref[...],
                            preferred_element_type=jnp.float32,
                            precision=lax.Precision.HIGHEST) + bm1_ref[...])
    out_ref[...] = jnp.dot(z, wm2_ref[...],
                           preferred_element_type=jnp.float32,
                           precision=lax.Precision.HIGHEST) + bm2_ref[...]


_final_call = pl.pallas_call(
    _final_body,
    out_shape=jax.ShapeDtypeStruct((NG, NT), jnp.float32),
)


def kernel(x, edge_index, batch, W1, b1, W2, b2, Wm1, bm1, Wm2, bm2):
    src = edge_index[0]
    dst = edge_index[1]
    pad_ids = jnp.arange(EPAD - E, dtype=jnp.int32)
    fill_src = jnp.full((EPAD - E,), ZROW, jnp.int32)
    fill_dst = pad_ids % N
    fill_deg = N + pad_ids % (NPAD - N)
    srcp = jnp.concatenate([src, fill_src]).reshape(NC, NS, NCH, CHUNK)
    dstp = jnp.concatenate([dst, fill_dst]).reshape(NC, NS, NCH, CHUNK)
    dstd = jnp.concatenate([dst, fill_deg]).reshape(NC, NS, NCH, CHUNK)
    xpad = jnp.zeros((NPAD, DF), jnp.float32).at[:N].set(x)
    batchp = jnp.full((NPAD, 1), NG, jnp.int32).at[:N, 0].set(batch)
    zeros64 = jnp.zeros((NPAD, H), jnp.float32)
    zeros1 = jnp.zeros((NPAD, DW), jnp.float32)
    ones128 = jnp.ones((CHUNK, DW), jnp.float32)

    xw = _mm_call(xpad, W1)
    degp = _deg_call(dstd, ones128, zeros1)
    xs, dis = _scale_call(xw, degp)
    t1 = _prop_call(xs, srcp, dstp, zeros64)
    xs2 = _mid_call(t1, xs, dis, b1.reshape(1, H))
    t2 = _prop_call(xs2, srcp, dstp, zeros64)
    out = _final_call(t2, xs2, dis, batchp, W2, b2.reshape(1, H),
                      Wm1, bm1.reshape(1, H), Wm2, bm2.reshape(1, NT))
    return out

# --- scband reference (transcript-rebuilt; emitter-appended) ---
"""Pipeline reference for scband-model-42803644072529 (READ-ONLY COPY).

The authoritative reference and input builder live on the scoring server;
editing this copy changes nothing except your own understanding.
"""

import jax, jax.numpy as jnp
import numpy as np

N_NODES = 10000
N_EDGES = 320000
D_FEAT = 128
HIDDEN = 64
N_TARGETS = 10
N_GRAPHS = 128


def setup_inputs(seed: int = 0) -> dict:
    key = jax.random.key(seed)
    ks = jax.random.split(key, 12)
    x = jax.random.normal(ks[0], (N_NODES, D_FEAT), dtype=jnp.float32)
    edge_index = jax.random.randint(ks[1], (2, N_EDGES), 0, N_NODES, dtype=jnp.int64 if jax.config.jax_enable_x64 else jnp.int32).astype(jnp.int32)
    batch = jnp.sort(jax.random.randint(ks[2], (N_NODES,), 0, N_GRAPHS)).astype(jnp.int32)
    # GCNConv layer 1: in=D_FEAT, out=HIDDEN
    W1 = jax.random.normal(ks[3], (D_FEAT, HIDDEN), dtype=jnp.float32) * (1.0 / np.sqrt(D_FEAT))
    b1 = jnp.zeros((HIDDEN,), dtype=jnp.float32)
    # GCNConv layer 2: in=HIDDEN, out=HIDDEN
    W2 = jax.random.normal(ks[4], (HIDDEN, HIDDEN), dtype=jnp.float32) * (1.0 / np.sqrt(HIDDEN))
    b2 = jnp.zeros((HIDDEN,), dtype=jnp.float32)
    # MLP head: Linear(HIDDEN,64)+ReLU, Linear(64,N_TARGETS)
    Wm1 = jax.random.normal(ks[5], (HIDDEN, 64), dtype=jnp.float32) * (1.0 / np.sqrt(HIDDEN))
    bm1 = jnp.zeros((64,), dtype=jnp.float32)
    Wm2 = jax.random.normal(ks[6], (64, N_TARGETS), dtype=jnp.float32) * (1.0 / np.sqrt(64))
    bm2 = jnp.zeros((N_TARGETS,), dtype=jnp.float32)
    return {"x": x, "edge_index": edge_index, "batch": batch,
            "W1": W1, "b1": b1, "W2": W2, "b2": b2,
            "Wm1": Wm1, "bm1": bm1, "Wm2": Wm2, "bm2": bm2}


def _gcn_conv(x, src, dst, deg_inv_sqrt, W, b):
    # PyG GCNConv: D^{-1/2} (A + I) D^{-1/2} X W + b  (self loops appended in src/dst)
    xw = x @ W
    norm = deg_inv_sqrt[src] * deg_inv_sqrt[dst]
    msgs = jnp.take(xw, src, axis=0) * norm[:, None]
    out = jax.ops.segment_sum(msgs, dst, num_segments=x.shape[0])
    return out + b


def reference(x, edge_index, batch, W1, b1, W2, b2, Wm1, bm1, Wm2, bm2):
    n = x.shape[0]
    loop = jnp.arange(n, dtype=edge_index.dtype)
    src = jnp.concatenate([edge_index[0], loop])
    dst = jnp.concatenate([edge_index[1], loop])
    deg = jax.ops.segment_sum(jnp.ones_like(dst, dtype=x.dtype), dst, num_segments=n)
    deg_inv_sqrt = jnp.where(deg > 0, jax.lax.rsqrt(jnp.maximum(deg, 1e-12)), 0.0)
    h = _gcn_conv(x, src, dst, deg_inv_sqrt, W1, b1)
    # dropout(p=0.0) in eval -> identity
    h = _gcn_conv(h, src, dst, deg_inv_sqrt, W2, b2)
    # global_add_pool
    g = jax.ops.segment_sum(h, batch, num_segments=N_GRAPHS)
    # MLP head
    g = jax.nn.relu(g @ Wm1 + bm1)
    out = g @ Wm2 + bm2
    return out

if __name__ == "__main__":
    import jax
    _d = setup_inputs()
    print(jax.jit(kernel)(*tuple(_d.values())))

</pallas_src>

<mosaic_0001>
#map = affine_map<(d0, d1) -> (0, 0)>
#map1 = affine_map<(d0, d1) -> (0, 0, 0, 0)>
#map2 = affine_map<(d0, d1) -> (0, 0, 0)>
module attributes {stable_mosaic.version = 14 : i64} {
  func.func @_prop_body(%arg0: i32, %arg1: i32, %arg2: memref<10112x64xf32, #tpu.memory_space<hbm>>, %arg3: memref<2x16x80x128xi32, #tpu.memory_space<hbm>>, %arg4: memref<2x16x80x128xi32, #tpu.memory_space<hbm>>, %arg5: memref<10112x64xf32, #tpu.memory_space<hbm>>, %arg6: memref<2x10112x64xf32, #tpu.memory_space<hbm>>, %arg7: memref<80x128xi32, #tpu.memory_space<vmem>>, %arg8: memref<80x128xi32, #tpu.memory_space<vmem>>, %arg9: memref<128x64xf32, #tpu.memory_space<vmem>>, %arg10: memref<128x64xf32, #tpu.memory_space<vmem>>, %arg11: memref<10112x64xf32, #tpu.memory_space<vmem_shared>>, %arg12: memref<10112x64xf32, #tpu.memory_space<vmem_shared>>, %arg13: memref<!tpu.dma_semaphore, #tpu.memory_space<semaphore_mem>>, %arg14: memref<!tpu.dma_semaphore, #tpu.memory_space<semaphore_mem>>) attributes {dimension_semantics = [#tpu.dimension_semantics<core_parallel>, #tpu.dimension_semantics<subcore_parallel>], iteration_bounds = array<i64: 2, 16>, scalar_prefetch = 0 : i64, scratch_operands = 8 : i64, tpu.core_type = #tpu.core_type<sc_vector_subcore>, window_params = [{transform_indices = #map}, {transform_indices = #map1}, {transform_indices = #map1}, {transform_indices = #map}, {transform_indices = #map2}]} {
    %mul3A = arith.constant 632 : i32
    %mul3A_0 = arith.muli %arg1, %mul3A : i32
    "tpu.region"() ({
      %run_scoped3A = tpu.sem_alloc : memref<!tpu.dma_semaphore, #tpu.memory_space<semaphore_mem>>
      %dma_start3A_13 = arith.constant 0 : i32
      %dma_start3A_14 = tpu.memref_slice %arg11[%mul3A_0, %dma_start3A_13] : memref<10112x64xf32, #tpu.memory_space<vmem_shared>> -> memref<632x64xf32, #tpu.memory_space<vmem_shared>>
      %dma_start3A_15 = arith.constant 0 : i32
      %dma_start3A_16 = tpu.memref_slice %arg2[%mul3A_0, %dma_start3A_15] : memref<10112x64xf32, #tpu.memory_space<hbm>> -> memref<632x64xf32, #tpu.memory_space<hbm>>
      tpu.enqueue_dma source(%dma_start3A_16 : memref<632x64xf32, #tpu.memory_space<hbm>>) target(%dma_start3A_14 : memref<632x64xf32, #tpu.memory_space<vmem_shared>>) target_semaphore(%run_scoped3A : memref<!tpu.dma_semaphore, #tpu.memory_space<semaphore_mem>>)
      %dma_wait3A = arith.constant 0 : i32
      %dma_wait3A_17 = tpu.memref_slice %arg11[%mul3A_0, %dma_wait3A] : memref<10112x64xf32, #tpu.memory_space<vmem_shared>> -> memref<632x64xf32, #tpu.memory_space<vmem_shared>>
      %dma_wait3A_18 = arith.constant 0 : i32
      %dma_wait3A_19 = tpu.memref_slice %arg2[%mul3A_0, %dma_wait3A_18] : memref<10112x64xf32, #tpu.memory_space<hbm>> -> memref<632x64xf32, #tpu.memory_space<hbm>>
      tpu.wait_dma2 semaphore(%run_scoped3A : memref<!tpu.dma_semaphore, #tpu.memory_space<semaphore_mem>>) src(%dma_wait3A_19 : memref<632x64xf32, #tpu.memory_space<hbm>>) dst(%dma_wait3A_17 : memref<632x64xf32, #tpu.memory_space<vmem_shared>>)
      tpu.yield
    }) : () -> ()
    "tpu.region"() ({
      %run_scoped3A = tpu.sem_alloc : memref<!tpu.dma_semaphore, #tpu.memory_space<semaphore_mem>>
      %dma_start3A_13 = arith.constant 0 : i32
      %dma_start3A_14 = tpu.memref_slice %arg12[%mul3A_0, %dma_start3A_13] : memref<10112x64xf32, #tpu.memory_space<vmem_shared>> -> memref<632x64xf32, #tpu.memory_space<vmem_shared>>
      %dma_start3A_15 = arith.constant 0 : i32
      %dma_start3A_16 = tpu.memref_slice %arg5[%mul3A_0, %dma_start3A_15] : memref<10112x64xf32, #tpu.memory_space<hbm>> -> memref<632x64xf32, #tpu.memory_space<hbm>>
      tpu.enqueue_dma source(%dma_start3A_16 : memref<632x64xf32, #tpu.memory_space<hbm>>) target(%dma_start3A_14 : memref<632x64xf32, #tpu.memory_space<vmem_shared>>) target_semaphore(%run_scoped3A : memref<!tpu.dma_semaphore, #tpu.memory_space<semaphore_mem>>)
      %dma_wait3A = arith.constant 0 : i32
      %dma_wait3A_17 = tpu.memref_slice %arg12[%mul3A_0, %dma_wait3A] : memref<10112x64xf32, #tpu.memory_space<vmem_shared>> -> memref<632x64xf32, #tpu.memory_space<vmem_shared>>
      %dma_wait3A_18 = arith.constant 0 : i32
      %dma_wait3A_19 = tpu.memref_slice %arg5[%mul3A_0, %dma_wait3A_18] : memref<10112x64xf32, #tpu.memory_space<hbm>> -> memref<632x64xf32, #tpu.memory_space<hbm>>
      tpu.wait_dma2 semaphore(%run_scoped3A : memref<!tpu.dma_semaphore, #tpu.memory_space<semaphore_mem>>) src(%dma_wait3A_19 : memref<632x64xf32, #tpu.memory_space<hbm>>) dst(%dma_wait3A_17 : memref<632x64xf32, #tpu.memory_space<vmem_shared>>)
      tpu.yield
    }) : () -> ()
    "tpu.region"() ({
      %run_scoped3A = tpu.sem_alloc : memref<!tpu.dma_semaphore, #tpu.memory_space<semaphore_mem>>
      %dma_start3A_13 = arith.constant 0 : i32
      %dma_start3A_14 = arith.constant 0 : i32
      %dma_start3A_15 = tpu.memref_slice %arg3[%arg0, %arg1, %dma_start3A_13, %dma_start3A_14] : memref<2x16x80x128xi32, #tpu.memory_space<hbm>> -> memref<1x1x80x128xi32, #tpu.memory_space<hbm>>
      %dma_start3A_16 = tpu.memref_squeeze %dma_start3A_15 : memref<1x1x80x128xi32, #tpu.memory_space<hbm>> -> memref<80x128xi32, #tpu.memory_space<hbm>>
      %dma_start3A_17 = arith.constant 0 : i32
      %dma_start3A_18 = arith.constant 0 : i32
      %dma_start3A_19 = tpu.memref_slice %arg3[%arg0, %arg1, %dma_start3A_17, %dma_start3A_18] : memref<2x16x80x128xi32, #tpu.memory_space<hbm>> -> memref<1x1x80x128xi32, #tpu.memory_space<hbm>>
      %dma_start3A_20 = tpu.memref_squeeze %dma_start3A_19 : memref<1x1x80x128xi32, #tpu.memory_space<hbm>> -> memref<80x128xi32, #tpu.memory_space<hbm>>
      tpu.enqueue_dma source(%dma_start3A_20 : memref<80x128xi32, #tpu.memory_space<hbm>>) target(%arg7 : memref<80x128xi32, #tpu.memory_space<vmem>>) target_semaphore(%run_scoped3A : memref<!tpu.dma_semaphore, #tpu.memory_space<semaphore_mem>>)
      %dma_wait3A = arith.constant 0 : i32
      %dma_wait3A_21 = arith.constant 0 : i32
      %dma_wait3A_22 = tpu.memref_slice %arg3[%arg0, %arg1, %dma_wait3A, %dma_wait3A_21] : memref<2x16x80x128xi32, #tpu.memory_space<hbm>> -> memref<1x1x80x128xi32, #tpu.memory_space<hbm>>
      %dma_wait3A_23 = tpu.memref_squeeze %dma_wait3A_22 : memref<1x1x80x128xi32, #tpu.memory_space<hbm>> -> memref<80x128xi32, #tpu.memory_space<hbm>>
      %dma_wait3A_24 = arith.constant 0 : i32
      %dma_wait3A_25 = arith.constant 0 : i32
      %dma_wait3A_26 = tpu.memref_slice %arg3[%arg0, %arg1, %dma_wait3A_24, %dma_wait3A_25] : memref<2x16x80x128xi32, #tpu.memory_space<hbm>> -> memref<1x1x80x128xi32, #tpu.memory_space<hbm>>
      %dma_wait3A_27 = tpu.memref_squeeze %dma_wait3A_26 : memref<1x1x80x128xi32, #tpu.memory_space<hbm>> -> memref<80x128xi32, #tpu.memory_space<hbm>>
      tpu.wait_dma2 semaphore(%run_scoped3A : memref<!tpu.dma_semaphore, #tpu.memory_space<semaphore_mem>>) src(%dma_wait3A_27 : memref<80x128xi32, #tpu.memory_space<hbm>>) dst(%arg7 : memref<80x128xi32, #tpu.memory_space<vmem>>)
      tpu.yield
    }) : () -> ()
    "tpu.region"() ({
      %run_scoped3A = tpu.sem_alloc : memref<!tpu.dma_semaphore, #tpu.memory_space<semaphore_mem>>
      %dma_start3A_13 = arith.constant 0 : i32
      %dma_start3A_14 = arith.constant 0 : i32
      %dma_start3A_15 = tpu.memref_slice %arg4[%arg0, %arg1, %dma_start3A_13, %dma_start3A_14] : memref<2x16x80x128xi32, #tpu.memory_space<hbm>> -> memref<1x1x80x128xi32, #tpu.memory_space<hbm>>
      %dma_start3A_16 = tpu.memref_squeeze %dma_start3A_15 : memref<1x1x80x128xi32, #tpu.memory_space<hbm>> -> memref<80x128xi32, #tpu.memory_space<hbm>>
      %dma_start3A_17 = arith.constant 0 : i32
      %dma_start3A_18 = arith.constant 0 : i32
      %dma_start3A_19 = tpu.memref_slice %arg4[%arg0, %arg1, %dma_start3A_17, %dma_start3A_18] : memref<2x16x80x128xi32, #tpu.memory_space<hbm>> -> memref<1x1x80x128xi32, #tpu.memory_space<hbm>>
      %dma_start3A_20 = tpu.memref_squeeze %dma_start3A_19 : memref<1x1x80x128xi32, #tpu.memory_space<hbm>> -> memref<80x128xi32, #tpu.memory_space<hbm>>
      tpu.enqueue_dma source(%dma_start3A_20 : memref<80x128xi32, #tpu.memory_space<hbm>>) target(%arg8 : memref<80x128xi32, #tpu.memory_space<vmem>>) target_semaphore(%run_scoped3A : memref<!tpu.dma_semaphore, #tpu.memory_space<semaphore_mem>>)
      %dma_wait3A = arith.constant 0 : i32
      %dma_wait3A_21 = arith.constant 0 : i32
      %dma_wait3A_22 = tpu.memref_slice %arg4[%arg0, %arg1, %dma_wait3A, %dma_wait3A_21] : memref<2x16x80x128xi32, #tpu.memory_space<hbm>> -> memref<1x1x80x128xi32, #tpu.memory_space<hbm>>
      %dma_wait3A_23 = tpu.memref_squeeze %dma_wait3A_22 : memref<1x1x80x128xi32, #tpu.memory_space<hbm>> -> memref<80x128xi32, #tpu.memory_space<hbm>>
      %dma_wait3A_24 = arith.constant 0 : i32
      %dma_wait3A_25 = arith.constant 0 : i32
      %dma_wait3A_26 = tpu.memref_slice %arg4[%arg0, %arg1, %dma_wait3A_24, %dma_wait3A_25] : memref<2x16x80x128xi32, #tpu.memory_space<hbm>> -> memref<1x1x80x128xi32, #tpu.memory_space<hbm>>
      %dma_wait3A_27 = tpu.memref_squeeze %dma_wait3A_26 : memref<1x1x80x128xi32, #tpu.memory_space<hbm>> -> memref<80x128xi32, #tpu.memory_space<hbm>>
      tpu.wait_dma2 semaphore(%run_scoped3A : memref<!tpu.dma_semaphore, #tpu.memory_space<semaphore_mem>>) src(%dma_wait3A_27 : memref<80x128xi32, #tpu.memory_space<hbm>>) dst(%arg8 : memref<80x128xi32, #tpu.memory_space<vmem>>)
      tpu.yield
    }) : () -> ()
    %barrier3A = arith.constant 0 : index
    tpu.barrier barrier_id(%barrier3A)
    %dma_start3A = arith.constant 0 : i32
    %dma_start3A_1 = arith.constant 0 : i32
    %dma_start3A_2 = tpu.memref_slice %arg7[%dma_start3A, %dma_start3A_1] : memref<80x128xi32, #tpu.memory_space<vmem>> -> memref<1x128xi32, #tpu.memory_space<vmem>>
    %dma_start3A_3 = tpu.memref_squeeze %dma_start3A_2 : memref<1x128xi32, #tpu.memory_space<vmem>> -> memref<128xi32, #tpu.memory_space<vmem>>
    %dma_start3A_4 = arith.constant 0 : i32
    %dma_start3A_5 = arith.constant 0 : i32
    %dma_start3A_6 = tpu.memref_slice %arg11[%dma_start3A_4, %dma_start3A_5] : memref<10112x64xf32, #tpu.memory_space<vmem_shared>> -> memref<10112x64xf32, #tpu.memory_space<vmem_shared>>
    tpu.enqueue_indirect_dma source(%dma_start3A_6 : memref<10112x64xf32, #tpu.memory_space<vmem_shared>>) target(%arg9 : memref<128x64xf32, #tpu.memory_space<vmem>>) offsets(%dma_start3A_3 : memref<128xi32, #tpu.memory_space<vmem>>) semaphore(%arg13 : memref<!tpu.dma_semaphore, #tpu.memory_space<semaphore_mem>>)
    %scan3A = arith.constant 0 : i32
    %scan3A_7 = arith.constant 0 : i32
    %scan3A_8 = arith.constant 40 : i32
    %scan3A_9 = arith.addi %scan3A_7, %scan3A_8 : i32
    %scan3A_10 = arith.constant 1 : i32
    scf.for %scan3A_13 = %scan3A_7 to %scan3A_9 step %scan3A_10  : i32 {
      %mul3A_14 = arith.constant 2 : i32
      %mul3A_15 = arith.muli %scan3A_13, %mul3A_14 : i32
      %add3A = arith.constant 1 : i32
      %add3A_16 = arith.addi %mul3A_15, %add3A : i32
      %dma_start3A_17 = arith.constant 0 : i32
      %dma_start3A_18 = tpu.memref_slice %arg7[%add3A_16, %dma_start3A_17] : memref<80x128xi32, #tpu.memory_space<vmem>> -> memref<1x128xi32, #tpu.memory_space<vmem>>
      %dma_start3A_19 = tpu.memref_squeeze %dma_start3A_18 : memref<1x128xi32, #tpu.memory_space<vmem>> -> memref<128xi32, #tpu.memory_space<vmem>>
      %dma_start3A_20 = arith.constant 0 : i32
      %dma_start3A_21 = arith.constant 0 : i32
      %dma_start3A_22 = tpu.memref_slice %arg11[%dma_start3A_20, %dma_start3A_21] : memref<10112x64xf32, #tpu.memory_space<vmem_shared>> -> memref<10112x64xf32, #tpu.memory_space<vmem_shared>>
      tpu.enqueue_indirect_dma source(%dma_start3A_22 : memref<10112x64xf32, #tpu.memory_space<vmem_shared>>) target(%arg10 : memref<128x64xf32, #tpu.memory_space<vmem>>) offsets(%dma_start3A_19 : memref<128xi32, #tpu.memory_space<vmem>>) semaphore(%arg14 : memref<!tpu.dma_semaphore, #tpu.memory_space<semaphore_mem>>)
      %dma_wait3A = arith.constant 0 : i32
      %dma_wait3A_23 = tpu.memref_slice %arg7[%mul3A_15, %dma_wait3A] : memref<80x128xi32, #tpu.memory_space<vmem>> -> memref<1x128xi32, #tpu.memory_space<vmem>>
      %dma_wait3A_24 = tpu.memref_squeeze %dma_wait3A_23 : memref<1x128xi32, #tpu.memory_space<vmem>> -> memref<128xi32, #tpu.memory_space<vmem>>
      %dma_wait3A_25 = arith.constant 0 : i32
      %dma_wait3A_26 = arith.constant 0 : i32
      %dma_wait3A_27 = tpu.memref_slice %arg11[%dma_wait3A_25, %dma_wait3A_26] : memref<10112x64xf32, #tpu.memory_space<vmem_shared>> -> memref<10112x64xf32, #tpu.memory_space<vmem_shared>>
      tpu.wait_indirect_dma semaphore(%arg13 : memref<!tpu.dma_semaphore, #tpu.memory_space<semaphore_mem>>) src(%dma_wait3A_27 : memref<10112x64xf32, #tpu.memory_space<vmem_shared>>) dst(%arg9 : memref<128x64xf32, #tpu.memory_space<vmem>>)
      "tpu.region"() ({
        %run_scoped3A = tpu.sem_alloc : memref<!tpu.dma_semaphore, #tpu.memory_space<semaphore_mem>>
        %dma_start3A_40 = arith.constant 0 : i32
        %dma_start3A_41 = tpu.memref_slice %arg8[%mul3A_15, %dma_start3A_40] : memref<80x128xi32, #tpu.memory_space<vmem>> -> memref<1x128xi32, #tpu.memory_space<vmem>>
        %dma_start3A_42 = tpu.memref_squeeze %dma_start3A_41 : memref<1x128xi32, #tpu.memory_space<vmem>> -> memref<128xi32, #tpu.memory_space<vmem>>
        %dma_start3A_43 = arith.constant 0 : i32
        %dma_start3A_44 = arith.constant 0 : i32
        %dma_start3A_45 = tpu.memref_slice %arg12[%dma_start3A_43, %dma_start3A_44] : memref<10112x64xf32, #tpu.memory_space<vmem_shared>> -> memref<10112x64xf32, #tpu.memory_space<vmem_shared>>
        tpu.enqueue_indirect_dma source(%arg9 : memref<128x64xf32, #tpu.memory_space<vmem>>) target(%dma_start3A_45 : memref<10112x64xf32, #tpu.memory_space<vmem_shared>>) offsets(%dma_start3A_42 : memref<128xi32, #tpu.memory_space<vmem>>) semaphore(%run_scoped3A : memref<!tpu.dma_semaphore, #tpu.memory_space<semaphore_mem>>) {add = true}
        %dma_wait3A_46 = arith.constant 0 : i32
        %dma_wait3A_47 = tpu.memref_slice %arg8[%mul3A_15, %dma_wait3A_46] : memref<80x128xi32, #tpu.memory_space<vmem>> -> memref<1x128xi32, #tpu.memory_space<vmem>>
        %dma_wait3A_48 = tpu.memref_squeeze %dma_wait3A_47 : memref<1x128xi32, #tpu.memory_space<vmem>> -> memref<128xi32, #tpu.memory_space<vmem>>
        %dma_wait3A_49 = arith.constant 0 : i32
        %dma_wait3A_50 = arith.constant 0 : i32
        %dma_wait3A_51 = tpu.memref_slice %arg12[%dma_wait3A_49, %dma_wait3A_50] : memref<10112x64xf32, #tpu.memory_space<vmem_shared>> -> memref<10112x64xf32, #tpu.memory_space<vmem_shared>>
        tpu.wait_indirect_dma semaphore(%run_scoped3A : memref<!tpu.dma_semaphore, #tpu.memory_space<semaphore_mem>>) src(%arg9 : memref<128x64xf32, #tpu.memory_space<vmem>>) dst(%dma_wait3A_51 : memref<10112x64xf32, #tpu.memory_space<vmem_shared>>)
        tpu.yield
      }) : () -> ()
      %lt3A = arith.constant 39 : i32
      %lt3A_28 = arith.cmpi slt, %scan3A_13, %lt3A : i32
      %convert_element_type3A = arith.extui %lt3A_28 : i1 to i32
      %cond3A = arith.constant 0 : i32
      %cond3A_29 = arith.cmpi ne, %convert_element_type3A, %cond3A : i32
      scf.if %cond3A_29 {
        %add3A_40 = arith.constant 2 : i32
        %add3A_41 = arith.addi %mul3A_15, %add3A_40 : i32
        %dma_start3A_42 = arith.constant 0 : i32
        %dma_start3A_43 = tpu.memref_slice %arg7[%add3A_41, %dma_start3A_42] : memref<80x128xi32, #tpu.memory_space<vmem>> -> memref<1x128xi32, #tpu.memory_space<vmem>>
        %dma_start3A_44 = tpu.memref_squeeze %dma_start3A_43 : memref<1x128xi32, #tpu.memory_space<vmem>> -> memref<128xi32, #tpu.memory_space<vmem>>
        %dma_start3A_45 = arith.constant 0 : i32
        %dma_start3A_46 = arith.constant 0 : i32
        %dma_start3A_47 = tpu.memref_slice %arg11[%dma_start3A_45, %dma_start3A_46] : memref<10112x64xf32, #tpu.memory_space<vmem_shared>> -> memref<10112x64xf32, #tpu.memory_space<vmem_shared>>
        tpu.enqueue_indirect_dma source(%dma_start3A_47 : memref<10112x64xf32, #tpu.memory_space<vmem_shared>>) target(%arg9 : memref<128x64xf32, #tpu.memory_space<vmem>>) offsets(%dma_start3A_44 : memref<128xi32, #tpu.memory_space<vmem>>) semaphore(%arg13 : memref<!tpu.dma_semaphore, #tpu.memory_space<semaphore_mem>>)
      } else {
      }
      %add3A_30 = arith.constant 1 : i32
      %add3A_31 = arith.addi %mul3A_15, %add3A_30 : i32
      %dma_wait3A_32 = arith.constant 0 : i32
      %dma_wait3A_33 = tpu.memref_slice %arg7[%add3A_31, %dma_wait3A_32] : memref<80x128xi32, #tpu.memory_space<vmem>> -> memref<1x128xi32, #tpu.memory_space<vmem>>
      %dma_wait3A_34 = tpu.memref_squeeze %dma_wait3A_33 : memref<1x128xi32, #tpu.memory_space<vmem>> -> memref<128xi32, #tpu.memory_space<vmem>>
      %dma_wait3A_35 = arith.constant 0 : i32
      %dma_wait3A_36 = arith.constant 0 : i32
      %dma_wait3A_37 = tpu.memref_slice %arg11[%dma_wait3A_35, %dma_wait3A_36] : memref<10112x64xf32, #tpu.memory_space<vmem_shared>> -> memref<10112x64xf32, #tpu.memory_space<vmem_shared>>
      tpu.wait_indirect_dma semaphore(%arg14 : memref<!tpu.dma_semaphore, #tpu.memory_space<semaphore_mem>>) src(%dma_wait3A_37 : memref<10112x64xf32, #tpu.memory_space<vmem_shared>>) dst(%arg10 : memref<128x64xf32, #tpu.memory_space<vmem>>)
      %add3A_38 = arith.constant 1 : i32
      %add3A_39 = arith.addi %mul3A_15, %add3A_38 : i32
      "tpu.region"() ({
        %run_scoped3A = tpu.sem_alloc : memref<!tpu.dma_semaphore, #tpu.memory_space<semaphore_mem>>
        %dma_start3A_40 = arith.constant 0 : i32
        %dma_start3A_41 = tpu.memref_slice %arg8[%add3A_39, %dma_start3A_40] : memref<80x128xi32, #tpu.memory_space<vmem>> -> memref<1x128xi32, #tpu.memory_space<vmem>>
        %dma_start3A_42 = tpu.memref_squeeze %dma_start3A_41 : memref<1x128xi32, #tpu.memory_space<vmem>> -> memref<128xi32, #tpu.memory_space<vmem>>
        %dma_start3A_43 = arith.constant 0 : i32
        %dma_start3A_44 = arith.constant 0 : i32
        %dma_start3A_45 = tpu.memref_slice %arg12[%dma_start3A_43, %dma_start3A_44] : memref<10112x64xf32, #tpu.memory_space<vmem_shared>> -> memref<10112x64xf32, #tpu.memory_space<vmem_shared>>
        tpu.enqueue_indirect_dma source(%arg10 : memref<128x64xf32, #tpu.memory_space<vmem>>) target(%dma_start3A_45 : memref<10112x64xf32, #tpu.memory_space<vmem_shared>>) offsets(%dma_start3A_42 : memref<128xi32, #tpu.memory_space<vmem>>) semaphore(%run_scoped3A : memref<!tpu.dma_semaphore, #tpu.memory_space<semaphore_mem>>) {add = true}
        %dma_wait3A_46 = arith.constant 0 : i32
        %dma_wait3A_47 = tpu.memref_slice %arg8[%add3A_39, %dma_wait3A_46] : memref<80x128xi32, #tpu.memory_space<vmem>> -> memref<1x128xi32, #tpu.memory_space<vmem>>
        %dma_wait3A_48 = tpu.memref_squeeze %dma_wait3A_47 : memref<1x128xi32, #tpu.memory_space<vmem>> -> memref<128xi32, #tpu.memory_space<vmem>>
        %dma_wait3A_49 = arith.constant 0 : i32
        %dma_wait3A_50 = arith.constant 0 : i32
        %dma_wait3A_51 = tpu.memref_slice %arg12[%dma_wait3A_49, %dma_wait3A_50] : memref<10112x64xf32, #tpu.memory_space<vmem_shared>> -> memref<10112x64xf32, #tpu.memory_space<vmem_shared>>
        tpu.wait_indirect_dma semaphore(%run_scoped3A : memref<!tpu.dma_semaphore, #tpu.memory_space<semaphore_mem>>) src(%arg10 : memref<128x64xf32, #tpu.memory_space<vmem>>) dst(%dma_wait3A_51 : memref<10112x64xf32, #tpu.memory_space<vmem_shared>>)
        tpu.yield
      }) : () -> ()
    }
    %scan3A_11 = arith.constant 40 : i32
    %barrier3A_12 = arith.constant 0 : index
    tpu.barrier barrier_id(%barrier3A_12)
    "tpu.region"() ({
      %run_scoped3A = tpu.sem_alloc : memref<!tpu.dma_semaphore, #tpu.memory_space<semaphore_mem>>
      %dma_start3A_13 = arith.constant 0 : i32
      %dma_start3A_14 = tpu.memref_slice %arg6[%arg0, %mul3A_0, %dma_start3A_13] : memref<2x10112x64xf32, #tpu.memory_space<hbm>> -> memref<1x632x64xf32, #tpu.memory_space<hbm>>
      %dma_start3A_15 = tpu.memref_squeeze %dma_start3A_14 : memref<1x632x64xf32, #tpu.memory_space<hbm>> -> memref<632x64xf32, #tpu.memory_space<hbm>>
      %dma_start3A_16 = arith.constant 0 : i32
      %dma_start3A_17 = tpu.memref_slice %arg12[%mul3A_0, %dma_start3A_16] : memref<10112x64xf32, #tpu.memory_space<vmem_shared>> -> memref<632x64xf32, #tpu.memory_space<vmem_shared>>
      tpu.enqueue_dma source(%dma_start3A_17 : memref<632x64xf32, #tpu.memory_space<vmem_shared>>) target(%dma_start3A_15 : memref<632x64xf32, #tpu.memory_space<hbm>>) target_semaphore(%run_scoped3A : memref<!tpu.dma_semaphore, #tpu.memory_space<semaphore_mem>>)
      %dma_wait3A = arith.constant 0 : i32
      %dma_wait3A_18 = tpu.memref_slice %arg6[%arg0, %mul3A_0, %dma_wait3A] : memref<2x10112x64xf32, #tpu.memory_space<hbm>> -> memref<1x632x64xf32, #tpu.memory_space<hbm>>
      %dma_wait3A_19 = tpu.memref_squeeze %dma_wait3A_18 : memref<1x632x64xf32, #tpu.memory_space<hbm>> -> memref<632x64xf32, #tpu.memory_space<hbm>>
      %dma_wait3A_20 = arith.constant 0 : i32
      %dma_wait3A_21 = tpu.memref_slice %arg12[%mul3A_0, %dma_wait3A_20] : memref<10112x64xf32, #tpu.memory_space<vmem_shared>> -> memref<632x64xf32, #tpu.memory_space<vmem_shared>>
      tpu.wait_dma2 semaphore(%run_scoped3A : memref<!tpu.dma_semaphore, #tpu.memory_space<semaphore_mem>>) src(%dma_wait3A_21 : memref<632x64xf32, #tpu.memory_space<vmem_shared>>) dst(%dma_wait3A_19 : memref<632x64xf32, #tpu.memory_space<hbm>>)
      tpu.yield
    }) : () -> ()
    return
  }
}

#map = affine_map<(d0, d1) -> (0, 0, 0, 0)>
#map1 = affine_map<(d0, d1) -> (0, 0)>
#map2 = affine_map<(d0, d1) -> (0, 0, 0)>
module attributes {stable_mosaic.version = 14 : i64} {
  func.func @_deg_body(%arg0: i32, %arg1: i32, %arg2: memref<2x16x80x128xi32, #tpu.memory_space<hbm>>, %arg3: memref<128x16xf32, #tpu.memory_space<hbm>>, %arg4: memref<10112x16xf32, #tpu.memory_space<hbm>>, %arg5: memref<2x10112x16xf32, #tpu.memory_space<hbm>>, %arg6: memref<80x128xi32, #tpu.memory_space<vmem>>, %arg7: memref<128x16xf32, #tpu.memory_space<vmem>>, %arg8: memref<10112x16xf32, #tpu.memory_space<vmem_shared>>) attributes {dimension_semantics = [#tpu.dimension_semantics<core_parallel>, #tpu.dimension_semantics<subcore_parallel>], iteration_bounds = array<i64: 2, 16>, scalar_prefetch = 0 : i64, scratch_operands = 3 : i64, tpu.core_type = #tpu.core_type<sc_vector_subcore>, window_params = [{transform_indices = #map}, {transform_indices = #map1}, {transform_indices = #map1}, {transform_indices = #map2}]} {
    %mul3A = arith.constant 632 : i32
    %mul3A_0 = arith.muli %arg1, %mul3A : i32
    "tpu.region"() ({
      %run_scoped3A = tpu.sem_alloc : memref<!tpu.dma_semaphore, #tpu.memory_space<semaphore_mem>>
      %dma_start3A = arith.constant 0 : i32
      %dma_start3A_7 = tpu.memref_slice %arg8[%mul3A_0, %dma_start3A] : memref<10112x16xf32, #tpu.memory_space<vmem_shared>> -> memref<632x16xf32, #tpu.memory_space<vmem_shared>>
      %dma_start3A_8 = arith.constant 0 : i32
      %dma_start3A_9 = tpu.memref_slice %arg4[%mul3A_0, %dma_start3A_8] : memref<10112x16xf32, #tpu.memory_space<hbm>> -> memref<632x16xf32, #tpu.memory_space<hbm>>
      tpu.enqueue_dma source(%dma_start3A_9 : memref<632x16xf32, #tpu.memory_space<hbm>>) target(%dma_start3A_7 : memref<632x16xf32, #tpu.memory_space<vmem_shared>>) target_semaphore(%run_scoped3A : memref<!tpu.dma_semaphore, #tpu.memory_space<semaphore_mem>>)
      %dma_wait3A = arith.constant 0 : i32
      %dma_wait3A_10 = tpu.memref_slice %arg8[%mul3A_0, %dma_wait3A] : memref<10112x16xf32, #tpu.memory_space<vmem_shared>> -> memref<632x16xf32, #tpu.memory_space<vmem_shared>>
      %dma_wait3A_11 = arith.constant 0 : i32
      %dma_wait3A_12 = tpu.memref_slice %arg4[%mul3A_0, %dma_wait3A_11] : memref<10112x16xf32, #tpu.memory_space<hbm>> -> memref<632x16xf32, #tpu.memory_space<hbm>>
      tpu.wait_dma2 semaphore(%run_scoped3A : memref<!tpu.dma_semaphore, #tpu.memory_space<semaphore_mem>>) src(%dma_wait3A_12 : memref<632x16xf32, #tpu.memory_space<hbm>>) dst(%dma_wait3A_10 : memref<632x16xf32, #tpu.memory_space<vmem_shared>>)
      tpu.yield
    }) : () -> ()
    "tpu.region"() ({
      %run_scoped3A = tpu.sem_alloc : memref<!tpu.dma_semaphore, #tpu.memory_space<semaphore_mem>>
      tpu.enqueue_dma source(%arg3 : memref<128x16xf32, #tpu.memory_space<hbm>>) target(%arg7 : memref<128x16xf32, #tpu.memory_space<vmem>>) target_semaphore(%run_scoped3A : memref<!tpu.dma_semaphore, #tpu.memory_space<semaphore_mem>>)
      tpu.wait_dma2 semaphore(%run_scoped3A : memref<!tpu.dma_semaphore, #tpu.memory_space<semaphore_mem>>) src(%arg3 : memref<128x16xf32, #tpu.memory_space<hbm>>) dst(%arg7 : memref<128x16xf32, #tpu.memory_space<vmem>>)
      tpu.yield
    }) : () -> ()
    "tpu.region"() ({
      %run_scoped3A = tpu.sem_alloc : memref<!tpu.dma_semaphore, #tpu.memory_space<semaphore_mem>>
      %dma_start3A = arith.constant 0 : i32
      %dma_start3A_7 = arith.constant 0 : i32
      %dma_start3A_8 = tpu.memref_slice %arg2[%arg0, %arg1, %dma_start3A, %dma_start3A_7] : memref<2x16x80x128xi32, #tpu.memory_space<hbm>> -> memref<1x1x80x128xi32, #tpu.memory_space<hbm>>
      %dma_start3A_9 = tpu.memref_squeeze %dma_start3A_8 : memref<1x1x80x128xi32, #tpu.memory_space<hbm>> -> memref<80x128xi32, #tpu.memory_space<hbm>>
      %dma_start3A_10 = arith.constant 0 : i32
      %dma_start3A_11 = arith.constant 0 : i32
      %dma_start3A_12 = tpu.memref_slice %arg2[%arg0, %arg1, %dma_start3A_10, %dma_start3A_11] : memref<2x16x80x128xi32, #tpu.memory_space<hbm>> -> memref<1x1x80x128xi32, #tpu.memory_space<hbm>>
      %dma_start3A_13 = tpu.memref_squeeze %dma_start3A_12 : memref<1x1x80x128xi32, #tpu.memory_space<hbm>> -> memref<80x128xi32, #tpu.memory_space<hbm>>
      tpu.enqueue_dma source(%dma_start3A_13 : memref<80x128xi32, #tpu.memory_space<hbm>>) target(%arg6 : memref<80x128xi32, #tpu.memory_space<vmem>>) target_semaphore(%run_scoped3A : memref<!tpu.dma_semaphore, #tpu.memory_space<semaphore_mem>>)
      %dma_wait3A = arith.constant 0 : i32
      %dma_wait3A_14 = arith.constant 0 : i32
      %dma_wait3A_15 = tpu.memref_slice %arg2[%arg0, %arg1, %dma_wait3A, %dma_wait3A_14] : memref<2x16x80x128xi32, #tpu.memory_space<hbm>> -> memref<1x1x80x128xi32, #tpu.memory_space<hbm>>
      %dma_wait3A_16 = tpu.memref_squeeze %dma_wait3A_15 : memref<1x1x80x128xi32, #tpu.memory_space<hbm>> -> memref<80x128xi32, #tpu.memory_space<hbm>>
      %dma_wait3A_17 = arith.constant 0 : i32
      %dma_wait3A_18 = arith.constant 0 : i32
      %dma_wait3A_19 = tpu.memref_slice %arg2[%arg0, %arg1, %dma_wait3A_17, %dma_wait3A_18] : memref<2x16x80x128xi32, #tpu.memory_space<hbm>> -> memref<1x1x80x128xi32, #tpu.memory_space<hbm>>
      %dma_wait3A_20 = tpu.memref_squeeze %dma_wait3A_19 : memref<1x1x80x128xi32, #tpu.memory_space<hbm>> -> memref<80x128xi32, #tpu.memory_space<hbm>>
      tpu.wait_dma2 semaphore(%run_scoped3A : memref<!tpu.dma_semaphore, #tpu.memory_space<semaphore_mem>>) src(%dma_wait3A_20 : memref<80x128xi32, #tpu.memory_space<hbm>>) dst(%arg6 : memref<80x128xi32, #tpu.memory_space<vmem>>)
      tpu.yield
    }) : () -> ()
    %barrier3A = arith.constant 0 : index
    tpu.barrier barrier_id(%barrier3A)
    %scan3A = arith.constant 0 : i32
    %scan3A_1 = arith.constant 0 : i32
    %scan3A_2 = arith.constant 80 : i32
    %scan3A_3 = arith.addi %scan3A_1, %scan3A_2 : i32
    %scan3A_4 = arith.constant 1 : i32
    scf.for %scan3A_7 = %scan3A_1 to %scan3A_3 step %scan3A_4  : i32 {
      "tpu.region"() ({
        %run_scoped3A = tpu.sem_alloc : memref<!tpu.dma_semaphore, #tpu.memory_space<semaphore_mem>>
        %dma_start3A = arith.constant 0 : i32
        %dma_start3A_8 = tpu.memref_slice %arg6[%scan3A_7, %dma_start3A] : memref<80x128xi32, #tpu.memory_space<vmem>> -> memref<1x128xi32, #tpu.memory_space<vmem>>
        %dma_start3A_9 = tpu.memref_squeeze %dma_start3A_8 : memref<1x128xi32, #tpu.memory_space<vmem>> -> memref<128xi32, #tpu.memory_space<vmem>>
        %dma_start3A_10 = arith.constant 0 : i32
        %dma_start3A_11 = arith.constant 0 : i32
        %dma_start3A_12 = tpu.memref_slice %arg8[%dma_start3A_10, %dma_start3A_11] : memref<10112x16xf32, #tpu.memory_space<vmem_shared>> -> memref<10112x16xf32, #tpu.memory_space<vmem_shared>>
        tpu.enqueue_indirect_dma source(%arg7 : memref<128x16xf32, #tpu.memory_space<vmem>>) target(%dma_start3A_12 : memref<10112x16xf32, #tpu.memory_space<vmem_shared>>) offsets(%dma_start3A_9 : memref<128xi32, #tpu.memory_space<vmem>>) semaphore(%run_scoped3A : memref<!tpu.dma_semaphore, #tpu.memory_space<semaphore_mem>>) {add = true}
        %dma_wait3A = arith.constant 0 : i32
        %dma_wait3A_13 = tpu.memref_slice %arg6[%scan3A_7, %dma_wait3A] : memref<80x128xi32, #tpu.memory_space<vmem>> -> memref<1x128xi32, #tpu.memory_space<vmem>>
        %dma_wait3A_14 = tpu.memref_squeeze %dma_wait3A_13 : memref<1x128xi32, #tpu.memory_space<vmem>> -> memref<128xi32, #tpu.memory_space<vmem>>
        %dma_wait3A_15 = arith.constant 0 : i32
        %dma_wait3A_16 = arith.constant 0 : i32
        %dma_wait3A_17 = tpu.memref_slice %arg8[%dma_wait3A_15, %dma_wait3A_16] : memref<10112x16xf32, #tpu.memory_space<vmem_shared>> -> memref<10112x16xf32, #tpu.memory_space<vmem_shared>>
        tpu.wait_indirect_dma semaphore(%run_scoped3A : memref<!tpu.dma_semaphore, #tpu.memory_space<semaphore_mem>>) src(%arg7 : memref<128x16xf32, #tpu.memory_space<vmem>>) dst(%dma_wait3A_17 : memref<10112x16xf32, #tpu.memory_space<vmem_shared>>)
        tpu.yield
      }) : () -> ()
    }
    %scan3A_5 = arith.constant 80 : i32
    %barrier3A_6 = arith.constant 0 : index
    tpu.barrier barrier_id(%barrier3A_6)
    "tpu.region"() ({
      %run_scoped3A = tpu.sem_alloc : memref<!tpu.dma_semaphore, #tpu.memory_space<semaphore_mem>>
      %dma_start3A = arith.constant 0 : i32
      %dma_start3A_7 = tpu.memref_slice %arg5[%arg0, %mul3A_0, %dma_start3A] : memref<2x10112x16xf32, #tpu.memory_space<hbm>> -> memref<1x632x16xf32, #tpu.memory_space<hbm>>
      %dma_start3A_8 = tpu.memref_squeeze %dma_start3A_7 : memref<1x632x16xf32, #tpu.memory_space<hbm>> -> memref<632x16xf32, #tpu.memory_space<hbm>>
      %dma_start3A_9 = arith.constant 0 : i32
      %dma_start3A_10 = tpu.memref_slice %arg8[%mul3A_0, %dma_start3A_9] : memref<10112x16xf32, #tpu.memory_space<vmem_shared>> -> memref<632x16xf32, #tpu.memory_space<vmem_shared>>
      tpu.enqueue_dma source(%dma_start3A_10 : memref<632x16xf32, #tpu.memory_space<vmem_shared>>) target(%dma_start3A_8 : memref<632x16xf32, #tpu.memory_space<hbm>>) target_semaphore(%run_scoped3A : memref<!tpu.dma_semaphore, #tpu.memory_space<semaphore_mem>>)
      %dma_wait3A = arith.constant 0 : i32
      %dma_wait3A_11 = tpu.memref_slice %arg5[%arg0, %mul3A_0, %dma_wait3A] : memref<2x10112x16xf32, #tpu.memory_space<hbm>> -> memref<1x632x16xf32, #tpu.memory_space<hbm>>
      %dma_wait3A_12 = tpu.memref_squeeze %dma_wait3A_11 : memref<1x632x16xf32, #tpu.memory_space<hbm>> -> memref<632x16xf32, #tpu.memory_space<hbm>>
      %dma_wait3A_13 = arith.constant 0 : i32
      %dma_wait3A_14 = tpu.memref_slice %arg8[%mul3A_0, %dma_wait3A_13] : memref<10112x16xf32, #tpu.memory_space<vmem_shared>> -> memref<632x16xf32, #tpu.memory_space<vmem_shared>>
      tpu.wait_dma2 semaphore(%run_scoped3A : memref<!tpu.dma_semaphore, #tpu.memory_space<semaphore_mem>>) src(%dma_wait3A_14 : memref<632x16xf32, #tpu.memory_space<vmem_shared>>) dst(%dma_wait3A_12 : memref<632x16xf32, #tpu.memory_space<hbm>>)
      tpu.yield
    }) : () -> ()
    return
  }
}

#map = affine_map<(d0, d1) -> (0, 0)>
#map1 = affine_map<(d0, d1) -> (0, 0, 0, 0)>
#map2 = affine_map<(d0, d1) -> (0, 0, 0)>
module attributes {stable_mosaic.version = 14 : i64} {
  func.func @_prop_body(%arg0: i32, %arg1: i32, %arg2: memref<10112x64xf32, #tpu.memory_space<hbm>>, %arg3: memref<2x16x80x128xi32, #tpu.memory_space<hbm>>, %arg4: memref<2x16x80x128xi32, #tpu.memory_space<hbm>>, %arg5: memref<10112x64xf32, #tpu.memory_space<hbm>>, %arg6: memref<2x10112x64xf32, #tpu.memory_space<hbm>>, %arg7: memref<80x128xi32, #tpu.memory_space<vmem>>, %arg8: memref<80x128xi32, #tpu.memory_space<vmem>>, %arg9: memref<128x64xf32, #tpu.memory_space<vmem>>, %arg10: memref<128x64xf32, #tpu.memory_space<vmem>>, %arg11: memref<10112x64xf32, #tpu.memory_space<vmem_shared>>, %arg12: memref<10112x64xf32, #tpu.memory_space<vmem_shared>>, %arg13: memref<!tpu.dma_semaphore, #tpu.memory_space<semaphore_mem>>, %arg14: memref<!tpu.dma_semaphore, #tpu.memory_space<semaphore_mem>>) attributes {dimension_semantics = [#tpu.dimension_semantics<core_parallel>, #tpu.dimension_semantics<subcore_parallel>], iteration_bounds = array<i64: 2, 16>, scalar_prefetch = 0 : i64, scratch_operands = 8 : i64, tpu.core_type = #tpu.core_type<sc_vector_subcore>, window_params = [{transform_indices = #map}, {transform_indices = #map1}, {transform_indices = #map1}, {transform_indices = #map}, {transform_indices = #map2}]} {
    %mul3A = arith.constant 632 : i32
    %mul3A_0 = arith.muli %arg1, %mul3A : i32
    "tpu.region"() ({
      %run_scoped3A = tpu.sem_alloc : memref<!tpu.dma_semaphore, #tpu.memory_space<semaphore_mem>>
      %dma_start3A_13 = arith.constant 0 : i32
      %dma_start3A_14 = tpu.memref_slice %arg11[%mul3A_0, %dma_start3A_13] : memref<10112x64xf32, #tpu.memory_space<vmem_shared>> -> memref<632x64xf32, #tpu.memory_space<vmem_shared>>
      %dma_start3A_15 = arith.constant 0 : i32
      %dma_start3A_16 = tpu.memref_slice %arg2[%mul3A_0, %dma_start3A_15] : memref<10112x64xf32, #tpu.memory_space<hbm>> -> memref<632x64xf32, #tpu.memory_space<hbm>>
      tpu.enqueue_dma source(%dma_start3A_16 : memref<632x64xf32, #tpu.memory_space<hbm>>) target(%dma_start3A_14 : memref<632x64xf32, #tpu.memory_space<vmem_shared>>) target_semaphore(%run_scoped3A : memref<!tpu.dma_semaphore, #tpu.memory_space<semaphore_mem>>)
      %dma_wait3A = arith.constant 0 : i32
      %dma_wait3A_17 = tpu.memref_slice %arg11[%mul3A_0, %dma_wait3A] : memref<10112x64xf32, #tpu.memory_space<vmem_shared>> -> memref<632x64xf32, #tpu.memory_space<vmem_shared>>
      %dma_wait3A_18 = arith.constant 0 : i32
      %dma_wait3A_19 = tpu.memref_slice %arg2[%mul3A_0, %dma_wait3A_18] : memref<10112x64xf32, #tpu.memory_space<hbm>> -> memref<632x64xf32, #tpu.memory_space<hbm>>
      tpu.wait_dma2 semaphore(%run_scoped3A : memref<!tpu.dma_semaphore, #tpu.memory_space<semaphore_mem>>) src(%dma_wait3A_19 : memref<632x64xf32, #tpu.memory_space<hbm>>) dst(%dma_wait3A_17 : memref<632x64xf32, #tpu.memory_space<vmem_shared>>)
      tpu.yield
    }) : () -> ()
    "tpu.region"() ({
      %run_scoped3A = tpu.sem_alloc : memref<!tpu.dma_semaphore, #tpu.memory_space<semaphore_mem>>
      %dma_start3A_13 = arith.constant 0 : i32
      %dma_start3A_14 = tpu.memref_slice %arg12[%mul3A_0, %dma_start3A_13] : memref<10112x64xf32, #tpu.memory_space<vmem_shared>> -> memref<632x64xf32, #tpu.memory_space<vmem_shared>>
      %dma_start3A_15 = arith.constant 0 : i32
      %dma_start3A_16 = tpu.memref_slice %arg5[%mul3A_0, %dma_start3A_15] : memref<10112x64xf32, #tpu.memory_space<hbm>> -> memref<632x64xf32, #tpu.memory_space<hbm>>
      tpu.enqueue_dma source(%dma_start3A_16 : memref<632x64xf32, #tpu.memory_space<hbm>>) target(%dma_start3A_14 : memref<632x64xf32, #tpu.memory_space<vmem_shared>>) target_semaphore(%run_scoped3A : memref<!tpu.dma_semaphore, #tpu.memory_space<semaphore_mem>>)
      %dma_wait3A = arith.constant 0 : i32
      %dma_wait3A_17 = tpu.memref_slice %arg12[%mul3A_0, %dma_wait3A] : memref<10112x64xf32, #tpu.memory_space<vmem_shared>> -> memref<632x64xf32, #tpu.memory_space<vmem_shared>>
      %dma_wait3A_18 = arith.constant 0 : i32
      %dma_wait3A_19 = tpu.memref_slice %arg5[%mul3A_0, %dma_wait3A_18] : memref<10112x64xf32, #tpu.memory_space<hbm>> -> memref<632x64xf32, #tpu.memory_space<hbm>>
      tpu.wait_dma2 semaphore(%run_scoped3A : memref<!tpu.dma_semaphore, #tpu.memory_space<semaphore_mem>>) src(%dma_wait3A_19 : memref<632x64xf32, #tpu.memory_space<hbm>>) dst(%dma_wait3A_17 : memref<632x64xf32, #tpu.memory_space<vmem_shared>>)
      tpu.yield
    }) : () -> ()
    "tpu.region"() ({
      %run_scoped3A = tpu.sem_alloc : memref<!tpu.dma_semaphore, #tpu.memory_space<semaphore_mem>>
      %dma_start3A_13 = arith.constant 0 : i32
      %dma_start3A_14 = arith.constant 0 : i32
      %dma_start3A_15 = tpu.memref_slice %arg3[%arg0, %arg1, %dma_start3A_13, %dma_start3A_14] : memref<2x16x80x128xi32, #tpu.memory_space<hbm>> -> memref<1x1x80x128xi32, #tpu.memory_space<hbm>>
      %dma_start3A_16 = tpu.memref_squeeze %dma_start3A_15 : memref<1x1x80x128xi32, #tpu.memory_space<hbm>> -> memref<80x128xi32, #tpu.memory_space<hbm>>
      %dma_start3A_17 = arith.constant 0 : i32
      %dma_start3A_18 = arith.constant 0 : i32
      %dma_start3A_19 = tpu.memref_slice %arg3[%arg0, %arg1, %dma_start3A_17, %dma_start3A_18] : memref<2x16x80x128xi32, #tpu.memory_space<hbm>> -> memref<1x1x80x128xi32, #tpu.memory_space<hbm>>
      %dma_start3A_20 = tpu.memref_squeeze %dma_start3A_19 : memref<1x1x80x128xi32, #tpu.memory_space<hbm>> -> memref<80x128xi32, #tpu.memory_space<hbm>>
      tpu.enqueue_dma source(%dma_start3A_20 : memref<80x128xi32, #tpu.memory_space<hbm>>) target(%arg7 : memref<80x128xi32, #tpu.memory_space<vmem>>) target_semaphore(%run_scoped3A : memref<!tpu.dma_semaphore, #tpu.memory_space<semaphore_mem>>)
      %dma_wait3A = arith.constant 0 : i32
      %dma_wait3A_21 = arith.constant 0 : i32
      %dma_wait3A_22 = tpu.memref_slice %arg3[%arg0, %arg1, %dma_wait3A, %dma_wait3A_21] : memref<2x16x80x128xi32, #tpu.memory_space<hbm>> -> memref<1x1x80x128xi32, #tpu.memory_space<hbm>>
      %dma_wait3A_23 = tpu.memref_squeeze %dma_wait3A_22 : memref<1x1x80x128xi32, #tpu.memory_space<hbm>> -> memref<80x128xi32, #tpu.memory_space<hbm>>
      %dma_wait3A_24 = arith.constant 0 : i32
      %dma_wait3A_25 = arith.constant 0 : i32
      %dma_wait3A_26 = tpu.memref_slice %arg3[%arg0, %arg1, %dma_wait3A_24, %dma_wait3A_25] : memref<2x16x80x128xi32, #tpu.memory_space<hbm>> -> memref<1x1x80x128xi32, #tpu.memory_space<hbm>>
      %dma_wait3A_27 = tpu.memref_squeeze %dma_wait3A_26 : memref<1x1x80x128xi32, #tpu.memory_space<hbm>> -> memref<80x128xi32, #tpu.memory_space<hbm>>
      tpu.wait_dma2 semaphore(%run_scoped3A : memref<!tpu.dma_semaphore, #tpu.memory_space<semaphore_mem>>) src(%dma_wait3A_27 : memref<80x128xi32, #tpu.memory_space<hbm>>) dst(%arg7 : memref<80x128xi32, #tpu.memory_space<vmem>>)
      tpu.yield
    }) : () -> ()
    "tpu.region"() ({
      %run_scoped3A = tpu.sem_alloc : memref<!tpu.dma_semaphore, #tpu.memory_space<semaphore_mem>>
      %dma_start3A_13 = arith.constant 0 : i32
      %dma_start3A_14 = arith.constant 0 : i32
      %dma_start3A_15 = tpu.memref_slice %arg4[%arg0, %arg1, %dma_start3A_13, %dma_start3A_14] : memref<2x16x80x128xi32, #tpu.memory_space<hbm>> -> memref<1x1x80x128xi32, #tpu.memory_space<hbm>>
      %dma_start3A_16 = tpu.memref_squeeze %dma_start3A_15 : memref<1x1x80x128xi32, #tpu.memory_space<hbm>> -> memref<80x128xi32, #tpu.memory_space<hbm>>
      %dma_start3A_17 = arith.constant 0 : i32
      %dma_start3A_18 = arith.constant 0 : i32
      %dma_start3A_19 = tpu.memref_slice %arg4[%arg0, %arg1, %dma_start3A_17, %dma_start3A_18] : memref<2x16x80x128xi32, #tpu.memory_space<hbm>> -> memref<1x1x80x128xi32, #tpu.memory_space<hbm>>
      %dma_start3A_20 = tpu.memref_squeeze %dma_start3A_19 : memref<1x1x80x128xi32, #tpu.memory_space<hbm>> -> memref<80x128xi32, #tpu.memory_space<hbm>>
      tpu.enqueue_dma source(%dma_start3A_20 : memref<80x128xi32, #tpu.memory_space<hbm>>) target(%arg8 : memref<80x128xi32, #tpu.memory_space<vmem>>) target_semaphore(%run_scoped3A : memref<!tpu.dma_semaphore, #tpu.memory_space<semaphore_mem>>)
      %dma_wait3A = arith.constant 0 : i32
      %dma_wait3A_21 = arith.constant 0 : i32
      %dma_wait3A_22 = tpu.memref_slice %arg4[%arg0, %arg1, %dma_wait3A, %dma_wait3A_21] : memref<2x16x80x128xi32, #tpu.memory_space<hbm>> -> memref<1x1x80x128xi32, #tpu.memory_space<hbm>>
      %dma_wait3A_23 = tpu.memref_squeeze %dma_wait3A_22 : memref<1x1x80x128xi32, #tpu.memory_space<hbm>> -> memref<80x128xi32, #tpu.memory_space<hbm>>
      %dma_wait3A_24 = arith.constant 0 : i32
      %dma_wait3A_25 = arith.constant 0 : i32
      %dma_wait3A_26 = tpu.memref_slice %arg4[%arg0, %arg1, %dma_wait3A_24, %dma_wait3A_25] : memref<2x16x80x128xi32, #tpu.memory_space<hbm>> -> memref<1x1x80x128xi32, #tpu.memory_space<hbm>>
      %dma_wait3A_27 = tpu.memref_squeeze %dma_wait3A_26 : memref<1x1x80x128xi32, #tpu.memory_space<hbm>> -> memref<80x128xi32, #tpu.memory_space<hbm>>
      tpu.wait_dma2 semaphore(%run_scoped3A : memref<!tpu.dma_semaphore, #tpu.memory_space<semaphore_mem>>) src(%dma_wait3A_27 : memref<80x128xi32, #tpu.memory_space<hbm>>) dst(%arg8 : memref<80x128xi32, #tpu.memory_space<vmem>>)
      tpu.yield
    }) : () -> ()
    %barrier3A = arith.constant 0 : index
    tpu.barrier barrier_id(%barrier3A)
    %dma_start3A = arith.constant 0 : i32
    %dma_start3A_1 = arith.constant 0 : i32
    %dma_start3A_2 = tpu.memref_slice %arg7[%dma_start3A, %dma_start3A_1] : memref<80x128xi32, #tpu.memory_space<vmem>> -> memref<1x128xi32, #tpu.memory_space<vmem>>
    %dma_start3A_3 = tpu.memref_squeeze %dma_start3A_2 : memref<1x128xi32, #tpu.memory_space<vmem>> -> memref<128xi32, #tpu.memory_space<vmem>>
    %dma_start3A_4 = arith.constant 0 : i32
    %dma_start3A_5 = arith.constant 0 : i32
    %dma_start3A_6 = tpu.memref_slice %arg11[%dma_start3A_4, %dma_start3A_5] : memref<10112x64xf32, #tpu.memory_space<vmem_shared>> -> memref<10112x64xf32, #tpu.memory_space<vmem_shared>>
    tpu.enqueue_indirect_dma source(%dma_start3A_6 : memref<10112x64xf32, #tpu.memory_space<vmem_shared>>) target(%arg9 : memref<128x64xf32, #tpu.memory_space<vmem>>) offsets(%dma_start3A_3 : memref<128xi32, #tpu.memory_space<vmem>>) semaphore(%arg13 : memref<!tpu.dma_semaphore, #tpu.memory_space<semaphore_mem>>)
    %scan3A = arith.constant 0 : i32
    %scan3A_7 = arith.constant 0 : i32
    %scan3A_8 = arith.constant 40 : i32
    %scan3A_9 = arith.addi %scan3A_7, %scan3A_8 : i32
    %scan3A_10 = arith.constant 1 : i32
    scf.for %scan3A_13 = %scan3A_7 to %scan3A_9 step %scan3A_10  : i32 {
      %mul3A_14 = arith.constant 2 : i32
      %mul3A_15 = arith.muli %scan3A_13, %mul3A_14 : i32
      %add3A = arith.constant 1 : i32
      %add3A_16 = arith.addi %mul3A_15, %add3A : i32
      %dma_start3A_17 = arith.constant 0 : i32
      %dma_start3A_18 = tpu.memref_slice %arg7[%add3A_16, %dma_start3A_17] : memref<80x128xi32, #tpu.memory_space<vmem>> -> memref<1x128xi32, #tpu.memory_space<vmem>>
      %dma_start3A_19 = tpu.memref_squeeze %dma_start3A_18 : memref<1x128xi32, #tpu.memory_space<vmem>> -> memref<128xi32, #tpu.memory_space<vmem>>
      %dma_start3A_20 = arith.constant 0 : i32
      %dma_start3A_21 = arith.constant 0 : i32
      %dma_start3A_22 = tpu.memref_slice %arg11[%dma_start3A_20, %dma_start3A_21] : memref<10112x64xf32, #tpu.memory_space<vmem_shared>> -> memref<10112x64xf32, #tpu.memory_space<vmem_shared>>
      tpu.enqueue_indirect_dma source(%dma_start3A_22 : memref<10112x64xf32, #tpu.memory_space<vmem_shared>>) target(%arg10 : memref<128x64xf32, #tpu.memory_space<vmem>>) offsets(%dma_start3A_19 : memref<128xi32, #tpu.memory_space<vmem>>) semaphore(%arg14 : memref<!tpu.dma_semaphore, #tpu.memory_space<semaphore_mem>>)
      %dma_wait3A = arith.constant 0 : i32
      %dma_wait3A_23 = tpu.memref_slice %arg7[%mul3A_15, %dma_wait3A] : memref<80x128xi32, #tpu.memory_space<vmem>> -> memref<1x128xi32, #tpu.memory_space<vmem>>
      %dma_wait3A_24 = tpu.memref_squeeze %dma_wait3A_23 : memref<1x128xi32, #tpu.memory_space<vmem>> -> memref<128xi32, #tpu.memory_space<vmem>>
      %dma_wait3A_25 = arith.constant 0 : i32
      %dma_wait3A_26 = arith.constant 0 : i32
      %dma_wait3A_27 = tpu.memref_slice %arg11[%dma_wait3A_25, %dma_wait3A_26] : memref<10112x64xf32, #tpu.memory_space<vmem_shared>> -> memref<10112x64xf32, #tpu.memory_space<vmem_shared>>
      tpu.wait_indirect_dma semaphore(%arg13 : memref<!tpu.dma_semaphore, #tpu.memory_space<semaphore_mem>>) src(%dma_wait3A_27 : memref<10112x64xf32, #tpu.memory_space<vmem_shared>>) dst(%arg9 : memref<128x64xf32, #tpu.memory_space<vmem>>)
      "tpu.region"() ({
        %run_scoped3A = tpu.sem_alloc : memref<!tpu.dma_semaphore, #tpu.memory_space<semaphore_mem>>
        %dma_start3A_40 = arith.constant 0 : i32
        %dma_start3A_41 = tpu.memref_slice %arg8[%mul3A_15, %dma_start3A_40] : memref<80x128xi32, #tpu.memory_space<vmem>> -> memref<1x128xi32, #tpu.memory_space<vmem>>
        %dma_start3A_42 = tpu.memref_squeeze %dma_start3A_41 : memref<1x128xi32, #tpu.memory_space<vmem>> -> memref<128xi32, #tpu.memory_space<vmem>>
        %dma_start3A_43 = arith.constant 0 : i32
        %dma_start3A_44 = arith.constant 0 : i32
        %dma_start3A_45 = tpu.memref_slice %arg12[%dma_start3A_43, %dma_start3A_44] : memref<10112x64xf32, #tpu.memory_space<vmem_shared>> -> memref<10112x64xf32, #tpu.memory_space<vmem_shared>>
        tpu.enqueue_indirect_dma source(%arg9 : memref<128x64xf32, #tpu.memory_space<vmem>>) target(%dma_start3A_45 : memref<10112x64xf32, #tpu.memory_space<vmem_shared>>) offsets(%dma_start3A_42 : memref<128xi32, #tpu.memory_space<vmem>>) semaphore(%run_scoped3A : memref<!tpu.dma_semaphore, #tpu.memory_space<semaphore_mem>>) {add = true}
        %dma_wait3A_46 = arith.constant 0 : i32
        %dma_wait3A_47 = tpu.memref_slice %arg8[%mul3A_15, %dma_wait3A_46] : memref<80x128xi32, #tpu.memory_space<vmem>> -> memref<1x128xi32, #tpu.memory_space<vmem>>
        %dma_wait3A_48 = tpu.memref_squeeze %dma_wait3A_47 : memref<1x128xi32, #tpu.memory_space<vmem>> -> memref<128xi32, #tpu.memory_space<vmem>>
        %dma_wait3A_49 = arith.constant 0 : i32
        %dma_wait3A_50 = arith.constant 0 : i32
        %dma_wait3A_51 = tpu.memref_slice %arg12[%dma_wait3A_49, %dma_wait3A_50] : memref<10112x64xf32, #tpu.memory_space<vmem_shared>> -> memref<10112x64xf32, #tpu.memory_space<vmem_shared>>
        tpu.wait_indirect_dma semaphore(%run_scoped3A : memref<!tpu.dma_semaphore, #tpu.memory_space<semaphore_mem>>) src(%arg9 : memref<128x64xf32, #tpu.memory_space<vmem>>) dst(%dma_wait3A_51 : memref<10112x64xf32, #tpu.memory_space<vmem_shared>>)
        tpu.yield
      }) : () -> ()
      %lt3A = arith.constant 39 : i32
      %lt3A_28 = arith.cmpi slt, %scan3A_13, %lt3A : i32
      %convert_element_type3A = arith.extui %lt3A_28 : i1 to i32
      %cond3A = arith.constant 0 : i32
      %cond3A_29 = arith.cmpi ne, %convert_element_type3A, %cond3A : i32
      scf.if %cond3A_29 {
        %add3A_40 = arith.constant 2 : i32
        %add3A_41 = arith.addi %mul3A_15, %add3A_40 : i32
        %dma_start3A_42 = arith.constant 0 : i32
        %dma_start3A_43 = tpu.memref_slice %arg7[%add3A_41, %dma_start3A_42] : memref<80x128xi32, #tpu.memory_space<vmem>> -> memref<1x128xi32, #tpu.memory_space<vmem>>
        %dma_start3A_44 = tpu.memref_squeeze %dma_start3A_43 : memref<1x128xi32, #tpu.memory_space<vmem>> -> memref<128xi32, #tpu.memory_space<vmem>>
        %dma_start3A_45 = arith.constant 0 : i32
        %dma_start3A_46 = arith.constant 0 : i32
        %dma_start3A_47 = tpu.memref_slice %arg11[%dma_start3A_45, %dma_start3A_46] : memref<10112x64xf32, #tpu.memory_space<vmem_shared>> -> memref<10112x64xf32, #tpu.memory_space<vmem_shared>>
        tpu.enqueue_indirect_dma source(%dma_start3A_47 : memref<10112x64xf32, #tpu.memory_space<vmem_shared>>) target(%arg9 : memref<128x64xf32, #tpu.memory_space<vmem>>) offsets(%dma_start3A_44 : memref<128xi32, #tpu.memory_space<vmem>>) semaphore(%arg13 : memref<!tpu.dma_semaphore, #tpu.memory_space<semaphore_mem>>)
      } else {
      }
      %add3A_30 = arith.constant 1 : i32
      %add3A_31 = arith.addi %mul3A_15, %add3A_30 : i32
      %dma_wait3A_32 = arith.constant 0 : i32
      %dma_wait3A_33 = tpu.memref_slice %arg7[%add3A_31, %dma_wait3A_32] : memref<80x128xi32, #tpu.memory_space<vmem>> -> memref<1x128xi32, #tpu.memory_space<vmem>>
      %dma_wait3A_34 = tpu.memref_squeeze %dma_wait3A_33 : memref<1x128xi32, #tpu.memory_space<vmem>> -> memref<128xi32, #tpu.memory_space<vmem>>
      %dma_wait3A_35 = arith.constant 0 : i32
      %dma_wait3A_36 = arith.constant 0 : i32
      %dma_wait3A_37 = tpu.memref_slice %arg11[%dma_wait3A_35, %dma_wait3A_36] : memref<10112x64xf32, #tpu.memory_space<vmem_shared>> -> memref<10112x64xf32, #tpu.memory_space<vmem_shared>>
      tpu.wait_indirect_dma semaphore(%arg14 : memref<!tpu.dma_semaphore, #tpu.memory_space<semaphore_mem>>) src(%dma_wait3A_37 : memref<10112x64xf32, #tpu.memory_space<vmem_shared>>) dst(%arg10 : memref<128x64xf32, #tpu.memory_space<vmem>>)
      %add3A_38 = arith.constant 1 : i32
      %add3A_39 = arith.addi %mul3A_15, %add3A_38 : i32
      "tpu.region"() ({
        %run_scoped3A = tpu.sem_alloc : memref<!tpu.dma_semaphore, #tpu.memory_space<semaphore_mem>>
        %dma_start3A_40 = arith.constant 0 : i32
        %dma_start3A_41 = tpu.memref_slice %arg8[%add3A_39, %dma_start3A_40] : memref<80x128xi32, #tpu.memory_space<vmem>> -> memref<1x128xi32, #tpu.memory_space<vmem>>
        %dma_start3A_42 = tpu.memref_squeeze %dma_start3A_41 : memref<1x128xi32, #tpu.memory_space<vmem>> -> memref<128xi32, #tpu.memory_space<vmem>>
        %dma_start3A_43 = arith.constant 0 : i32
        %dma_start3A_44 = arith.constant 0 : i32
        %dma_start3A_45 = tpu.memref_slice %arg12[%dma_start3A_43, %dma_start3A_44] : memref<10112x64xf32, #tpu.memory_space<vmem_shared>> -> memref<10112x64xf32, #tpu.memory_space<vmem_shared>>
        tpu.enqueue_indirect_dma source(%arg10 : memref<128x64xf32, #tpu.memory_space<vmem>>) target(%dma_start3A_45 : memref<10112x64xf32, #tpu.memory_space<vmem_shared>>) offsets(%dma_start3A_42 : memref<128xi32, #tpu.memory_space<vmem>>) semaphore(%run_scoped3A : memref<!tpu.dma_semaphore, #tpu.memory_space<semaphore_mem>>) {add = true}
        %dma_wait3A_46 = arith.constant 0 : i32
        %dma_wait3A_47 = tpu.memref_slice %arg8[%add3A_39, %dma_wait3A_46] : memref<80x128xi32, #tpu.memory_space<vmem>> -> memref<1x128xi32, #tpu.memory_space<vmem>>
        %dma_wait3A_48 = tpu.memref_squeeze %dma_wait3A_47 : memref<1x128xi32, #tpu.memory_space<vmem>> -> memref<128xi32, #tpu.memory_space<vmem>>
        %dma_wait3A_49 = arith.constant 0 : i32
        %dma_wait3A_50 = arith.constant 0 : i32
        %dma_wait3A_51 = tpu.memref_slice %arg12[%dma_wait3A_49, %dma_wait3A_50] : memref<10112x64xf32, #tpu.memory_space<vmem_shared>> -> memref<10112x64xf32, #tpu.memory_space<vmem_shared>>
        tpu.wait_indirect_dma semaphore(%run_scoped3A : memref<!tpu.dma_semaphore, #tpu.memory_space<semaphore_mem>>) src(%arg10 : memref<128x64xf32, #tpu.memory_space<vmem>>) dst(%dma_wait3A_51 : memref<10112x64xf32, #tpu.memory_space<vmem_shared>>)
        tpu.yield
      }) : () -> ()
    }
    %scan3A_11 = arith.constant 40 : i32
    %barrier3A_12 = arith.constant 0 : index
    tpu.barrier barrier_id(%barrier3A_12)
    "tpu.region"() ({
      %run_scoped3A = tpu.sem_alloc : memref<!tpu.dma_semaphore, #tpu.memory_space<semaphore_mem>>
      %dma_start3A_13 = arith.constant 0 : i32
      %dma_start3A_14 = tpu.memref_slice %arg6[%arg0, %mul3A_0, %dma_start3A_13] : memref<2x10112x64xf32, #tpu.memory_space<hbm>> -> memref<1x632x64xf32, #tpu.memory_space<hbm>>
      %dma_start3A_15 = tpu.memref_squeeze %dma_start3A_14 : memref<1x632x64xf32, #tpu.memory_space<hbm>> -> memref<632x64xf32, #tpu.memory_space<hbm>>
      %dma_start3A_16 = arith.constant 0 : i32
      %dma_start3A_17 = tpu.memref_slice %arg12[%mul3A_0, %dma_start3A_16] : memref<10112x64xf32, #tpu.memory_space<vmem_shared>> -> memref<632x64xf32, #tpu.memory_space<vmem_shared>>
      tpu.enqueue_dma source(%dma_start3A_17 : memref<632x64xf32, #tpu.memory_space<vmem_shared>>) target(%dma_start3A_15 : memref<632x64xf32, #tpu.memory_space<hbm>>) target_semaphore(%run_scoped3A : memref<!tpu.dma_semaphore, #tpu.memory_space<semaphore_mem>>)
      %dma_wait3A = arith.constant 0 : i32
      %dma_wait3A_18 = tpu.memref_slice %arg6[%arg0, %mul3A_0, %dma_wait3A] : memref<2x10112x64xf32, #tpu.memory_space<hbm>> -> memref<1x632x64xf32, #tpu.memory_space<hbm>>
      %dma_wait3A_19 = tpu.memref_squeeze %dma_wait3A_18 : memref<1x632x64xf32, #tpu.memory_space<hbm>> -> memref<632x64xf32, #tpu.memory_space<hbm>>
      %dma_wait3A_20 = arith.constant 0 : i32
      %dma_wait3A_21 = tpu.memref_slice %arg12[%mul3A_0, %dma_wait3A_20] : memref<10112x64xf32, #tpu.memory_space<vmem_shared>> -> memref<632x64xf32, #tpu.memory_space<vmem_shared>>
      tpu.wait_dma2 semaphore(%run_scoped3A : memref<!tpu.dma_semaphore, #tpu.memory_space<semaphore_mem>>) src(%dma_wait3A_21 : memref<632x64xf32, #tpu.memory_space<vmem_shared>>) dst(%dma_wait3A_19 : memref<632x64xf32, #tpu.memory_space<hbm>>)
      tpu.yield
    }) : () -> ()
    return
  }
}

module attributes {stable_mosaic.version = 14 : i64} {
  func.func @_mm_body(%arg0: memref<10112x128xf32, #tpu.memory_space<vmem>>, %arg1: memref<128x64xf32, #tpu.memory_space<vmem>>, %arg2: memref<10112x64xf32, #tpu.memory_space<vmem>>) attributes {dimension_semantics = [], scalar_prefetch = 0 : i64, scratch_operands = 0 : i64, tpu.core_type = #tpu.core_type<tc>} {
    %get3A = arith.constant 0 : index
    %get3A_0 = arith.constant 0 : index
    %get3A_1 = vector.load %arg0[%get3A, %get3A_0] : memref<10112x128xf32, #tpu.memory_space<vmem>>, vector<10112x128xf32>
    %get3A_2 = arith.constant 0 : index
    %get3A_3 = arith.constant 0 : index
    %get3A_4 = vector.load %arg1[%get3A_2, %get3A_3] : memref<128x64xf32, #tpu.memory_space<vmem>>, vector<128x64xf32>
    %dot_general3A = arith.constant dense<0.000000e+00> : vector<10112x64xf32>
    %dot_general3A_5 = tpu.matmul %get3A_1, %get3A_4, %dot_general3A {dimension_numbers = #tpu.dot_dimension_numbers<[1], [0], [0], [1], [0, 0, 1, 1], [], []>, precision = #tpu.contract_precision<fp32>, transpose_lhs_hint = false} : vector<10112x128xf32>, vector<128x64xf32>, vector<10112x64xf32> -> vector<10112x64xf32>
    %swap3A = arith.constant 0 : index
    %swap3A_6 = arith.constant 0 : index
    %swap3A_7 = vector.load %arg2[%swap3A, %swap3A_6] : memref<10112x64xf32, #tpu.memory_space<vmem>>, vector<10112x64xf32>
    tpu.vector_store %arg2[%swap3A, %swap3A_6], %dot_general3A_5 {strides = array<i32>} : memref<10112x64xf32, #tpu.memory_space<vmem>>, vector<10112x64xf32>,
    return
  }
}

module attributes {stable_mosaic.version = 14 : i64} {
  func.func @_scale_body(%arg0: memref<10112x64xf32, #tpu.memory_space<vmem>>, %arg1: memref<2x10112x16xf32, #tpu.memory_space<vmem>>, %arg2: memref<10112x64xf32, #tpu.memory_space<vmem>>, %arg3: memref<10112x1xf32, #tpu.memory_space<vmem>>) attributes {dimension_semantics = [], scalar_prefetch = 0 : i64, scratch_operands = 0 : i64, tpu.core_type = #tpu.core_type<tc>} {
    %get3A = arith.constant 0 : index
    %get3A_0 = arith.constant 0 : index
    %get3A_1 = arith.constant 0 : index
    %get3A_2 = vector.load %arg1[%get3A, %get3A_0, %get3A_1] : memref<2x10112x16xf32, #tpu.memory_space<vmem>>, vector<1x10112x1xf32>
    %get3A_3 = vector.shape_cast %get3A_2 : vector<1x10112x1xf32> to vector<10112x1xf32>
    %get3A_4 = arith.constant 1 : index
    %get3A_5 = arith.constant 0 : index
    %get3A_6 = arith.constant 0 : index
    %get3A_7 = vector.load %arg1[%get3A_4, %get3A_5, %get3A_6] : memref<2x10112x16xf32, #tpu.memory_space<vmem>>, vector<1x10112x1xf32>
    %get3A_8 = vector.shape_cast %get3A_7 : vector<1x10112x1xf32> to vector<10112x1xf32>
    %add3A = arith.addf %get3A_3, %get3A_8 : vector<10112x1xf32>
    %add3A_9 = arith.constant 1.000000e+00 : f32
    %add3A_10 = vector.broadcast %add3A_9 : f32 to vector<10112x1xf32>
    %add3A_11 = arith.addf %add3A, %add3A_10 : vector<10112x1xf32>
    %rsqrt3A = math.rsqrt %add3A_11 : vector<10112x1xf32>
    %get3A_12 = arith.constant 0 : index
    %get3A_13 = arith.constant 0 : index
    %get3A_14 = vector.load %arg0[%get3A_12, %get3A_13] : memref<10112x64xf32, #tpu.memory_space<vmem>>, vector<10112x64xf32>
    %mul3A = vector.broadcast %rsqrt3A : vector<10112x1xf32> to vector<10112x64xf32>
    %mul3A_15 = arith.mulf %get3A_14, %mul3A : vector<10112x64xf32>
    %swap3A = arith.constant 0 : index
    %swap3A_16 = arith.constant 0 : index
    %swap3A_17 = vector.load %arg2[%swap3A, %swap3A_16] : memref<10112x64xf32, #tpu.memory_space<vmem>>, vector<10112x64xf32>
    tpu.vector_store %arg2[%swap3A, %swap3A_16], %mul3A_15 {strides = array<i32>} : memref<10112x64xf32, #tpu.memory_space<vmem>>, vector<10112x64xf32>,
    %swap3A_18 = arith.constant 0 : index
    %swap3A_19 = arith.constant 0 : index
    %swap3A_20 = vector.load %arg3[%swap3A_18, %swap3A_19] : memref<10112x1xf32, #tpu.memory_space<vmem>>, vector<10112x1xf32>
    tpu.vector_store %arg3[%swap3A_18, %swap3A_19], %rsqrt3A {strides = array<i32>} : memref<10112x1xf32, #tpu.memory_space<vmem>>, vector<10112x1xf32>,
    return
  }
}

module attributes {stable_mosaic.version = 14 : i64} {
  func.func @_mid_body(%arg0: memref<2x10112x64xf32, #tpu.memory_space<vmem>>, %arg1: memref<10112x64xf32, #tpu.memory_space<vmem>>, %arg2: memref<10112x1xf32, #tpu.memory_space<vmem>>, %arg3: memref<1x64xf32, #tpu.memory_space<vmem>>, %arg4: memref<10112x64xf32, #tpu.memory_space<vmem>>) attributes {dimension_semantics = [], scalar_prefetch = 0 : i64, scratch_operands = 0 : i64, tpu.core_type = #tpu.core_type<tc>} {
    %get3A = arith.constant 0 : index
    %get3A_0 = arith.constant 0 : index
    %get3A_1 = vector.load %arg2[%get3A, %get3A_0] : memref<10112x1xf32, #tpu.memory_space<vmem>>, vector<10112x1xf32>
    %get3A_2 = arith.constant 0 : index
    %get3A_3 = arith.constant 0 : index
    %get3A_4 = arith.constant 0 : index
    %get3A_5 = vector.load %arg0[%get3A_2, %get3A_3, %get3A_4] : memref<2x10112x64xf32, #tpu.memory_space<vmem>>, vector<1x10112x64xf32>
    %get3A_6 = vector.shape_cast %get3A_5 : vector<1x10112x64xf32> to vector<10112x64xf32>
    %get3A_7 = arith.constant 1 : index
    %get3A_8 = arith.constant 0 : index
    %get3A_9 = arith.constant 0 : index
    %get3A_10 = vector.load %arg0[%get3A_7, %get3A_8, %get3A_9] : memref<2x10112x64xf32, #tpu.memory_space<vmem>>, vector<1x10112x64xf32>
    %get3A_11 = vector.shape_cast %get3A_10 : vector<1x10112x64xf32> to vector<10112x64xf32>
    %add3A = arith.addf %get3A_6, %get3A_11 : vector<10112x64xf32>
    %get3A_12 = arith.constant 0 : index
    %get3A_13 = arith.constant 0 : index
    %get3A_14 = vector.load %arg1[%get3A_12, %get3A_13] : memref<10112x64xf32, #tpu.memory_space<vmem>>, vector<10112x64xf32>
    %add3A_15 = arith.addf %add3A, %get3A_14 : vector<10112x64xf32>
    %mul3A = vector.broadcast %get3A_1 : vector<10112x1xf32> to vector<10112x64xf32>
    %mul3A_16 = arith.mulf %add3A_15, %mul3A : vector<10112x64xf32>
    %get3A_17 = arith.constant 0 : index
    %get3A_18 = arith.constant 0 : index
    %get3A_19 = vector.load %arg3[%get3A_17, %get3A_18] : memref<1x64xf32, #tpu.memory_space<vmem>>, vector<1x64xf32>
    %add3A_20 = vector.broadcast %get3A_19 : vector<1x64xf32> to vector<10112x64xf32>
    %add3A_21 = arith.addf %mul3A_16, %add3A_20 : vector<10112x64xf32>
    %iota3A = tpu.iota {dimensions = array<i32: 0>} : vector<10112x1xi32>
    %lt3A = arith.constant 10000 : i32
    %lt3A_22 = vector.broadcast %lt3A : i32 to vector<10112x1xi32>
    %lt3A_23 = arith.cmpi slt, %iota3A, %lt3A_22 : vector<10112x1xi32>
    %mul3A_24 = vector.broadcast %get3A_1 : vector<10112x1xf32> to vector<10112x64xf32>
    %mul3A_25 = arith.mulf %add3A_21, %mul3A_24 : vector<10112x64xf32>
    %jit3A = arith.constant 0.000000e+00 : f32
    %broadcast_in_dim3A = vector.shape_cast %lt3A_23 : vector<10112x1xi1> to vector<10112x1xi1>
    %broadcast_in_dim3A_26 = vector.broadcast %broadcast_in_dim3A : vector<10112x1xi1> to vector<10112x64xi1>
    %broadcast_in_dim3A_27 = vector.broadcast %jit3A : f32 to vector<10112x64xf32>
    %select_n3A = arith.select %broadcast_in_dim3A_26, %mul3A_25, %broadcast_in_dim3A_27 : vector<10112x64xi1>, vector<10112x64xf32>
    %swap3A = arith.constant 0 : index
    %swap3A_28 = arith.constant 0 : index
    %swap3A_29 = vector.load %arg4[%swap3A, %swap3A_28] : memref<10112x64xf32, #tpu.memory_space<vmem>>, vector<10112x64xf32>
    tpu.vector_store %arg4[%swap3A, %swap3A_28], %select_n3A {strides = array<i32>} : memref<10112x64xf32, #tpu.memory_space<vmem>>, vector<10112x64xf32>,
    return
  }
}

module attributes {stable_mosaic.version = 14 : i64} {
  func.func @_final_body(%arg0: memref<2x10112x64xf32, #tpu.memory_space<vmem>>, %arg1: memref<10112x64xf32, #tpu.memory_space<vmem>>, %arg2: memref<10112x1xf32, #tpu.memory_space<vmem>>, %arg3: memref<10112x1xi32, #tpu.memory_space<vmem>>, %arg4: memref<64x64xf32, #tpu.memory_space<vmem>>, %arg5: memref<1x64xf32, #tpu.memory_space<vmem>>, %arg6: memref<64x64xf32, #tpu.memory_space<vmem>>, %arg7: memref<1x64xf32, #tpu.memory_space<vmem>>, %arg8: memref<64x10xf32, #tpu.memory_space<vmem>>, %arg9: memref<1x10xf32, #tpu.memory_space<vmem>>, %arg10: memref<128x10xf32, #tpu.memory_space<vmem>>) attributes {dimension_semantics = [], scalar_prefetch = 0 : i64, scratch_operands = 0 : i64, tpu.core_type = #tpu.core_type<tc>} {
    %get3A = arith.constant 0 : index
    %get3A_0 = arith.constant 0 : index
    %get3A_1 = arith.constant 0 : index
    %get3A_2 = vector.load %arg0[%get3A, %get3A_0, %get3A_1] : memref<2x10112x64xf32, #tpu.memory_space<vmem>>, vector<1x10112x64xf32>
    %get3A_3 = vector.shape_cast %get3A_2 : vector<1x10112x64xf32> to vector<10112x64xf32>
    %get3A_4 = arith.constant 1 : index
    %get3A_5 = arith.constant 0 : index
    %get3A_6 = arith.constant 0 : index
    %get3A_7 = vector.load %arg0[%get3A_4, %get3A_5, %get3A_6] : memref<2x10112x64xf32, #tpu.memory_space<vmem>>, vector<1x10112x64xf32>
    %get3A_8 = vector.shape_cast %get3A_7 : vector<1x10112x64xf32> to vector<10112x64xf32>
    %add3A = arith.addf %get3A_3, %get3A_8 : vector<10112x64xf32>
    %get3A_9 = arith.constant 0 : index
    %get3A_10 = arith.constant 0 : index
    %get3A_11 = vector.load %arg1[%get3A_9, %get3A_10] : memref<10112x64xf32, #tpu.memory_space<vmem>>, vector<10112x64xf32>
    %add3A_12 = arith.addf %add3A, %get3A_11 : vector<10112x64xf32>
    %get3A_13 = arith.constant 0 : index
    %get3A_14 = arith.constant 0 : index
    %get3A_15 = vector.load %arg2[%get3A_13, %get3A_14] : memref<10112x1xf32, #tpu.memory_space<vmem>>, vector<10112x1xf32>
    %mul3A = vector.broadcast %get3A_15 : vector<10112x1xf32> to vector<10112x64xf32>
    %mul3A_16 = arith.mulf %add3A_12, %mul3A : vector<10112x64xf32>
    %iota3A = tpu.iota {dimensions = array<i32: 1>} : vector<10112x128xi32>
    %get3A_17 = arith.constant 0 : index
    %get3A_18 = arith.constant 0 : index
    %get3A_19 = vector.load %arg3[%get3A_17, %get3A_18] : memref<10112x1xi32, #tpu.memory_space<vmem>>, vector<10112x1xi32>
    %eq3A = vector.broadcast %get3A_19 : vector<10112x1xi32> to vector<10112x128xi32>
    %eq3A_20 = arith.cmpi eq, %eq3A, %iota3A : vector<10112x128xi32>
    %convert_element_type3A = arith.extui %eq3A_20 : vector<10112x128xi1> to vector<10112x128xi32>
    %convert_element_type3A_21 = arith.sitofp %convert_element_type3A : vector<10112x128xi32> to vector<10112x128xf32>
    %dot_general3A = arith.constant dense<0.000000e+00> : vector<128x64xf32>
    %dot_general3A_22 = tpu.matmul %convert_element_type3A_21, %mul3A_16, %dot_general3A {dimension_numbers = #tpu.dot_dimension_numbers<[0], [0], [1], [1], [0, 1, 1, 1], [], []>, precision = #tpu.contract_precision<fp32>, transpose_lhs_hint = false} : vector<10112x128xf32>, vector<10112x64xf32>, vector<128x64xf32> -> vector<128x64xf32>
    %broadcast_in_dim3A = arith.constant 1.000000e+00 : f32
    %broadcast_in_dim3A_23 = vector.broadcast %broadcast_in_dim3A : f32 to vector<10112x1xf32>
    %dot_general3A_24 = arith.constant dense<0.000000e+00> : vector<128x1xf32>
    %dot_general3A_25 = tpu.matmul %convert_element_type3A_21, %broadcast_in_dim3A_23, %dot_general3A_24 {dimension_numbers = #tpu.dot_dimension_numbers<[0], [0], [1], [1], [0, 1, 1, 1], [], []>, precision = #tpu.contract_precision<fp32>, transpose_lhs_hint = false} : vector<10112x128xf32>, vector<10112x1xf32>, vector<128x1xf32> -> vector<128x1xf32>
    %get3A_26 = arith.constant 0 : index
    %get3A_27 = arith.constant 0 : index
    %get3A_28 = vector.load %arg4[%get3A_26, %get3A_27] : memref<64x64xf32, #tpu.memory_space<vmem>>, vector<64x64xf32>
    %dot_general3A_29 = arith.constant dense<0.000000e+00> : vector<128x64xf32>
    %dot_general3A_30 = tpu.matmul %dot_general3A_22, %get3A_28, %dot_general3A_29 {dimension_numbers = #tpu.dot_dimension_numbers<[1], [0], [0], [1], [0, 0, 1, 1], [], []>, precision = #tpu.contract_precision<fp32>, transpose_lhs_hint = false} : vector<128x64xf32>, vector<64x64xf32>, vector<128x64xf32> -> vector<128x64xf32>
    %get3A_31 = arith.constant 0 : index
    %get3A_32 = arith.constant 0 : index
    %get3A_33 = vector.load %arg5[%get3A_31, %get3A_32] : memref<1x64xf32, #tpu.memory_space<vmem>>, vector<1x64xf32>
    %mul3A_34 = vector.broadcast %dot_general3A_25 : vector<128x1xf32> to vector<128x64xf32>
    %mul3A_35 = vector.broadcast %get3A_33 : vector<1x64xf32> to vector<128x64xf32>
    %mul3A_36 = arith.mulf %mul3A_34, %mul3A_35 : vector<128x64xf32>
    %add3A_37 = arith.addf %dot_general3A_30, %mul3A_36 : vector<128x64xf32>
    %get3A_38 = arith.constant 0 : index
    %get3A_39 = arith.constant 0 : index
    %get3A_40 = vector.load %arg6[%get3A_38, %get3A_39] : memref<64x64xf32, #tpu.memory_space<vmem>>, vector<64x64xf32>
    %dot_general3A_41 = arith.constant dense<0.000000e+00> : vector<128x64xf32>
    %dot_general3A_42 = tpu.matmul %add3A_37, %get3A_40, %dot_general3A_41 {dimension_numbers = #tpu.dot_dimension_numbers<[1], [0], [0], [1], [0, 0, 1, 1], [], []>, precision = #tpu.contract_precision<fp32>, transpose_lhs_hint = false} : vector<128x64xf32>, vector<64x64xf32>, vector<128x64xf32> -> vector<128x64xf32>
    %get3A_43 = arith.constant 0 : index
    %get3A_44 = arith.constant 0 : index
    %get3A_45 = vector.load %arg7[%get3A_43, %get3A_44] : memref<1x64xf32, #tpu.memory_space<vmem>>, vector<1x64xf32>
    %add3A_46 = vector.broadcast %get3A_45 : vector<1x64xf32> to vector<128x64xf32>
    %add3A_47 = arith.addf %dot_general3A_42, %add3A_46 : vector<128x64xf32>
    %max3A = arith.constant 0.000000e+00 : f32
    %max3A_48 = vector.broadcast %max3A : f32 to vector<128x64xf32>
    %max3A_49 = arith.maximumf %add3A_47, %max3A_48 : vector<128x64xf32>
    %get3A_50 = arith.constant 0 : index
    %get3A_51 = arith.constant 0 : index
    %get3A_52 = vector.load %arg8[%get3A_50, %get3A_51] : memref<64x10xf32, #tpu.memory_space<vmem>>, vector<64x10xf32>
    %dot_general3A_53 = arith.constant dense<0.000000e+00> : vector<128x10xf32>
    %dot_general3A_54 = tpu.matmul %max3A_49, %get3A_52, %dot_general3A_53 {dimension_numbers = #tpu.dot_dimension_numbers<[1], [0], [0], [1], [0, 0, 1, 1], [], []>, precision = #tpu.contract_precision<fp32>, transpose_lhs_hint = false} : vector<128x64xf32>, vector<64x10xf32>, vector<128x10xf32> -> vector<128x10xf32>
    %get3A_55 = arith.constant 0 : index
    %get3A_56 = arith.constant 0 : index
    %get3A_57 = vector.load %arg9[%get3A_55, %get3A_56] : memref<1x10xf32, #tpu.memory_space<vmem>>, vector<1x10xf32>
    %add3A_58 = vector.broadcast %get3A_57 : vector<1x10xf32> to vector<128x10xf32>
    %add3A_59 = arith.addf %dot_general3A_54, %add3A_58 : vector<128x10xf32>
    %swap3A = arith.constant 0 : index
    %swap3A_60 = arith.constant 0 : index
    %swap3A_61 = vector.load %arg10[%swap3A, %swap3A_60] : memref<128x10xf32, #tpu.memory_space<vmem>>, vector<128x10xf32>
    tpu.vector_store %arg10[%swap3A, %swap3A_60], %add3A_59 {strides = array<i32>} : memref<128x10xf32, #tpu.memory_space<vmem>>, vector<128x10xf32>,
    return
  }
}

</mosaic_0001>

<sc_bundles>
// kernel: kernel.12.cloned.1.call-start
scs
__scs_entry_jumppad:
0x0: {  	(pc) =	sbr.rel $0x88, $3  }
0x1: {  	(tag) =	ssettag $0x0;
	lr =	simm.s32 $0x1  }
0x2: {  	[smem:$0x3F96] =	sst lr;
	_ =	strace $0xD0000000  }
0x3: {  	_ = 	snop  }
0x4: {  	_ = 	snop  }
0x5: {  	_ = 	snop  }
0x6: {  	_ = 	snop  }
0x7: {  	_ = 	snop  }
__scs_overlays_trampoline_lowered:
0x8: {  	[smem:$0x3FA5] =	sst s0  }
0x9: {  	[smem:$0x3FA6] =	sst s1  }
0xa: {  	[smem:$0x3FA7] =	sst s2  }
0xb: {  	[smem:$0x3FA8] =	sst s3  }
0xc: {  	[smem:$0x3FA9] =	sst s4  }
0xd: {  	[smem:$0x3FAA] =	sst s5  }
0xe: {  	[smem:$0x3FAB] =	sst s6  }
0xf: {  	[smem:$0x3FAC] =	sst s7  }
0x10: {  	[smem:$0x3FAD] =	sst s8  }
0x11: {  	[smem:$0x3FAE] =	sst s9;
	s0 =	simm.s32 @!p0 $0x0  }
0x12: {  	s1 =	sld [smem:$0x3F94];
	s0 =	simm.s32 @p0 $0x1  }
0x13: {  	[smem:$0x3FAF] =	sst s0;
	s0 =	simm.s32 @!p1 $0x0  }
0x14: {  	s2 =	sld [smem:$0x3F93];
	s0 =	simm.s32 @p1 $0x1  }
0x15: {  	[smem:$0x3FB0] =	sst s0;
	s0 =	simm.s32 @!p2 $0x0  }
0x16: {  	s3 =	sld [smem:$0x3FDB];
	s0 =	simm.s32 @p2 $0x1  }
0x17: {  	s4 =	simm.s32 $0x1BF5;
	[smem:$0x3FB2] =	sst s0  }
0x18: {  	s0 =	sld [smem:$0x3F95];
	_ =	swait.ge [sflag:s4], $0x0  }
0x19: {  	s7 =	sld [smem:$0x3F96]  }
0x1a: {  	s8 =	sadd.s32 $0xFFFFE003, lr  }
0x1b: {  	s9 =	sadd.s32 $0xFFFFFEF7, lr;
	s5 =	simm.s32 $0xFFFFFFFF;
	p2 =	slt.u32 s8, $0xFFFFF086  }
0x1c: {  	p1 =	slt.u32 s9, $0xF7A;
	s5 =	simm.s32 @!p2 $0x0  }
0x1d: {  	s5 =	simm.s32 @p1 $0x1;
	p0 =	seq.s32 s7, s2  }
0x1e: {  	s7 =	smul.u32 @!p0 $0xF7A, s2;
	p2 =	seq.s32 @!p0 s5, $0x0  }
0x1f: {  	s9 =	smul.u32 $0xF7A, s1;
	s8 =	simm.s32 @!p0 $0x1BF5;
	p2 =	por !p2, p0  }
0x20: {  	[sflag:s8] =	ssyncset.s32 @!p0 $0xFFFFF086;
	s6 =	sadd.s32 @!p0 s3, s7;
	s7 =	simm.s32 @!p0 $0x108  }
0x21: {  	s3 =	sadd.s32 s3, s9;
	s6 =	sadd.s32 @!p0 $0x88, s6;
	s7 =	simm.s32 @p2 $0x1082  }
0x22: {  	[simem:s7], [sflag:s8] =	dma.local @!p0 [hbm:s6], $0xF7A  }
0x23: {  	s9 =	sor.u32 $0xD0000000, s2;
	s6 =	simm.s32 $0x108;
	_ =	swait.ge @!p0 [sflag:s8], $0x0  }
0x24: {  	s3 =	sadd.s32 $0x88, s3;
	s6 =	simm.s32 @!p1 $0x1082;
	[sflag:s4] =	ssyncset.s32 $0xFFFFF086  }
0x25: {  	[simem:s6], [sflag:s4] =	dma.local [hbm:s3], $0xF7A  }
0x26: {  	[smem:$0x3F96] =	sst s1;
	(tag) =	ssettag s2;
	_ =	strace s9  }
0x27: {  	s1 =	sld [smem:$0x3FA6]  }
0x28: {  	s2 =	sld [smem:$0x3FA7]  }
0x29: {  	s4 =	sld [smem:$0x3FA9]  }
0x2a: {  	p0 =	seq.s32 s5, $0x0;
	s5 =	sld [smem:$0x3FAA]  }
0x2b: {  	s6 =	sld [smem:$0x3FAB]  }
0x2c: {  	s7 =	sld [smem:$0x3FAC]  }
0x2d: {  	s3 =	simm.s32 $0x108;
	s8 =	sld [smem:$0x3FAD]  }
0x2e: {  	s3 =	simm.s32 @!p0 $0x1082;
	s9 =	sld [smem:$0x3FAE]  }
0x2f: {  	lr =	sadd.s32 s0, s3;
	s0 =	sld [smem:$0x3FA5]  }
0x30: {  	s3 =	sld [smem:$0x3FA8]  }
0x31: {  	[smem:$0x3FB1] =	sst s10  }
0x32: {  	s10 =	sld [smem:$0x3FAF];
	_ =	sdelay $0x3  }
0x33: {  	p0 =	seq.s32 s10, $0x1;
	s10 =	sld [smem:$0x3FB1];
	_ =	sdelay $0x3  }
0x34: {  	[smem:$0x3FB1] =	sst s10  }
0x35: {  	s10 =	sld [smem:$0x3FB0];
	_ =	sdelay $0x3  }
0x36: {  	p1 =	seq.s32 s10, $0x1;
	s10 =	sld [smem:$0x3FB1];
	_ =	sdelay $0x3  }
0x37: {  	[smem:$0x3FB1] =	sst s10  }
0x38: {  	s10 =	sld [smem:$0x3FB2]  }
0x39: {  	_ = 	snop;
	(pc) =	sbr.ind lr, $3  }
0x3a: {  	_ = 	snop  }
0x3b: {  	_ = 	snop  }
0x3c: {  	p2 =	seq.s32 s10, $0x1;
	s10 =	sld [smem:$0x3FB1]  }
0x3d: {  	_ =	shalt  }
0x3e: {  	_ =	shalt  }
0x3f: {  	_ =	shalt  }
0x40: {  	_ =	shalt  }
0x41: {  	_ =	shalt  }
0x42: {  	_ =	shalt  }
0x43: {  	_ =	shalt  }
0x44: {  	_ =	shalt  }
0x45: {  	_ =	shalt  }
0x46: {  	_ =	shalt  }
0x47: {  	_ =	shalt  }
0x48: {  	_ =	shalt  }
0x49: {  	_ =	shalt  }
0x4a: {  	_ =	shalt  }
0x4b: {  	_ =	shalt  }
0x4c: {  	_ =	shalt  }
0x4d: {  	_ =	shalt  }
0x4e: {  	_ =	shalt  }
0x4f: {  	_ =	shalt  }
0x50: {  	_ =	shalt  }
0x51: {  	_ =	shalt  }
0x52: {  	_ =	shalt  }
0x53: {  	_ =	shalt  }
0x54: {  	_ =	shalt  }
0x55: {  	_ =	shalt  }
0x56: {  	_ =	shalt  }
0x57: {  	_ =	shalt  }
0x58: {  	_ =	shalt  }
0x59: {  	_ =	shalt  }
0x5a: {  	_ =	shalt  }
0x5b: {  	_ =	shalt  }
0x5c: {  	_ =	shalt  }
0x5d: {  	_ =	shalt  }
0x5e: {  	_ =	shalt  }
0x5f: {  	_ =	shalt  }
0x60: {  	_ =	shalt  }
0x61: {  	_ =	shalt  }
0x62: {  	_ =	shalt  }
0x63: {  	_ =	shalt  }
0x64: {  	_ =	shalt  }
0x65: {  	_ =	shalt  }
0x66: {  	_ =	shalt  }
0x67: {  	_ =	shalt  }
0x68: {  	_ =	shalt  }
0x69: {  	_ =	shalt  }
0x6a: {  	_ =	shalt  }
0x6b: {  	_ =	shalt  }
0x6c: {  	_ =	shalt  }
0x6d: {  	_ =	shalt  }
0x6e: {  	_ =	shalt  }
0x6f: {  	_ =	shalt  }
0x70: {  	_ =	shalt  }
0x71: {  	_ =	shalt  }
0x72: {  	_ =	shalt  }
0x73: {  	_ =	shalt  }
0x74: {  	_ =	shalt  }
0x75: {  	_ =	shalt  }
0x76: {  	_ =	shalt  }
0x77: {  	_ =	shalt  }
0x78: {  	_ =	shalt  }
0x79: {  	_ =	shalt  }
0x7a: {  	_ =	shalt  }
0x7b: {  	_ =	shalt  }
0x7c: {  	_ =	shalt  }
0x7d: {  	_ =	shalt  }
0x7e: {  	_ =	shalt  }
0x7f: {  	_ =	shalt  }
0x80: {  	_ =	shalt  }
0x81: {  	_ =	shalt  }
0x82: {  	_ =	shalt  }
0x83: {  	_ =	shalt  }
0x84: {  	_ =	shalt  }
0x85: {  	_ =	shalt  }
0x86: {  	_ =	shalt  }
0x87: {  	_ =	shalt  }
.Lfunc_end0:
.L_simem_size_0:
called_computation.1_lowered:
.L_overlay_start_0:
0x88: {  	s2 =	sld [smem:$0x3FD9]  }
0x89: {  	s3 =	sld [smem:$0x3FFE];
	_ =	sdelay $0x1  }
0x8a: {  	s1 =	srdreg.scid  }
0x8b: {  	s0 =	sand.u32 $0x1, s1  }
0x8c: {  	s16 =	sshll.u32 s0, $0xA;
	s2 =	sadd.s32 s3, s2  }
0x8d: {  	s2 =	sadd.s32 s2, s16  }
0x8e: {  	[smem:$0x3FBD] =	sst s2  }
0x8f: {  	_ = 	snop  }
0x90: {  	(tm) =	ssettm $0x1  }
0x91: {  	s17 =	sld [smem:$0x3FFB];
	_ =	sdelay $0x3  }
0x92: {  	_ =	strace s17  }
0x93: {  	s2 =	sld [smem:$0x3FFC];
	_ =	sdelay $0x3  }
0x94: {  	_ =	strace s2  }
0x95: {  	s2 =	sld [smem:$0x3FFD];
	_ =	sdelay $0x3  }
0x96: {  	_ =	strace s2  }
0x97: {  	_ =	strace $0x8FFFFFFF  }
0x98: {  	s18 =	sld [smem:$0x3FDB];
	_ =	sdelay $0x1  }
0x99: {  	s19 =	simm.s32 $_scs_section_size  }
0x9a: {  	s4 =	simm.s32 $_size__tile_overlayer_lowered;
	s5 =	simm.s32 $_tile_overlayer_lowered  }
0x9b: {  	s22 =	simm.s32 $0x1BFF;
	s21 =	sshll.u32 s5, $0x1;
	s2 =	sadd.s32 s19, s18  }
0x9c: {  	s6 =	simm.s32 $0x0;
	s20 =	sshll.u32 s4, $0x1;
	s4 =	sadd.s32 s21, s2  }
0x9d: {  	[timem:s6], [sflag:s22] =	dma.local [hbm:s4], s20  }
0x9e: {  	_ =	swait.ge [sflag:s22], s20  }
0x9f: {  	s3 =	ssub.s32 $0x0, s20;
	[sflag:s22] =	ssyncset.done $0x0  }
0xa0: {  	[sflag:s22] =	ssyncadd.s32 s3;
	_ =	sdelay $0x1  }
0xa1: {  	s23 =	simm.s32 $0x1B8B  }
0xa2: {  	_ =	swait.ge [sflag:s23], $0x1  }
0xa3: {  	[sflag:s23] =	ssyncset.done $0x0  }
0xa4: {  	s25 =	simm.s32 $0x1B8E;
	s24 =	sld [smem:$0x3FFE];
	[sflag:s23] =	ssyncadd.s32 $0xFFFFFFFF  }
0xa5: {  	s26 =	simm.s32 $execute0_lowered;
	[smem:$0x3FD2] =	sst s25  }
0xa6: {  	s4 =	sshll.u32 s26, $0x1;
	_ =	strace $0x80000049;
	[dreg:$0x1] =	wrdreg $0xFFFFFFFF  }
0xa7: {  	s28 =	simm.s32 $_size_execute0_lowered;
	s2 =	sadd.s32 s2, s4;
	[dreg:$0x0] =	wrdreg $0x0  }
0xa8: {  	s4 =	sshll.u32 s28, $0x1;
	[dreg:$0x2] =	wrdreg s2  }
0xa9: {  	[dreg:$0x3] =	wrdreg s4  }
0xaa: {  	[dreg:$0x4] =	wrdreg $0xC0  }
0xab: {  	_ =	task [dreg:s6], $0x5FFFF  }
0xac: {  	[dreg:$0x1] =	wrdreg $0xFFFFFFFF  }
0xad: {  	[dreg:$0x0] =	wrdreg $0x60  }
0xae: {  	[dreg:$0x2] =	wrdreg s24  }
0xaf: {  	[dreg:$0x3] =	wrdreg $0x90000  }
0xb0: {  	[dreg:$0x4] =	wrdreg $0x12E000  }
0xb1: {  	[dreg:$0x5] =	wrdreg $0x9  }
0xb2: {  	_ =	task.clear_ibuf [dreg:s6], $0x6FFFF;
	_ =	strace $0x90000049  }
0xb3: {  	s29 =	simm.s32 $0x9;
	_ =	strace $0x8000004B  }
0xb4: {  	_ =	swait.ge [sflag:s29], $0x1  }
0xb5: {  	[sflag:s29] =	ssyncadd.s32 $0xFFFFFFFF  }
0xb6: {  	_ =	strace $0x9000004B  }
0xb7: {  	_ =	sfence  }
0xb8: {  	s30 =	sld [smem:$0x0];
	_ =	sdelay $0x2  }
0xb9: {  	s31 =	sshll.u32 s1, $0xD;
	s1 =	sshrl.u32 s1, $0x2  }
0xba: {  	s3 =	sand.u32 $0x4000, s31;
	s1 =	sadd.s32 s1, s30  }
0xbb: {  	s0 =	sor.u32 s3, s0;
	s1 =	sshll.u32 s1, $0x11  }
0xbc: {  	s0 =	sor.u32 s1, s0  }
0xbd: {  	s0 =	sadd.s32 $0x8F2B, s0  }
0xbe: {  	[sflag:s0] =	ssyncadd.remote.s32 $0x1  }
0xbf: {  	_ =	sfence.sel $0xFFFF  }
0xc0: {  	[dreg:$0x0] =	wrdreg $0xFFFFFFFF;
	(pc) =	sbr.abs _section_cstart, $3  }
0xc1: {  	[dreg:$0x1] =	wrdreg $0xFFFFFFFF  }
0xc2: {  	_ =	task.clear_ibuf [dreg:s6], $0x2FFFF;
	_ =	strace $0x9FFFFFFF  }
0xc3: {  	(tm) =	ssettm $0x7FFFFFFF  }
tec
execute0_lowered:
.L_overlay_start_1:
0x0: {  	(tag) =	ssettag $0x1  }
0x1: {  	s5 =	rddreg [dreg:$0x0]  }
0x2: {  	s2 =	rddreg [dreg:$0x1]  }
0x3: {  	s3 =	rddreg [dreg:$0x2]  }
0x4: {  	s0 =	srdreg.scid;
	s1 =	rddreg [dreg:$0x3];
	s4 =	simm.s32 $0x0  }
0x5: {  	s15 =	simm.s32 $0x2800;
	s16 =	simm.s32 $0x80;
	s17 =	simm.s32 $0x5000  }
0x6: {  	s18 =	simm.s32 $0x7000;
	s19 =	simm.s32 $0x1;
	s6 =	sand.u32 $0x1, s0  }
0x7: {  	s20 =	simm.s32 $0x2;
	s0 =	stileid.u32;
	s7 =	smul.u32 $0x28000, s6  }
0x8: {  	s21 =	simm.s32 $0x2780;
	s22 =	simm.s32 $0x4F00;
	s8 =	smul.u32 $0x2800, s0  }
0x9: {  	s23 =	simm.s32 $0x4F80;
	s24 =	simm.s32 $0x0;
	s9 =	smul.u32 $0x9E00, s0  }
0xa: {  	[smem:$0x7FF] =	sst s4;
	s26 =	smul.u32 $0x9E000, s6;
	s6 =	ssub.s32 $0x2, s6  }
0xb: {  	_ =	strace $0x8000004A;
	s31 =	sshll.u32 s0, $0x6;
	s30 =	sshrl.u32 s6, $0x1  }
0xc: {  	s7 =	sadd.s32 s8, s7;
	s28 =	sadd.s32 s9, s26;
	s29 =	sshrl.u32 s9, $0x3  }
0xd: {  	s12 =	ssub.s32 s6, s30;
	s13 =	sadd.s32 s9, s2;
	s6 =	sor.u32 $0x1C03, s31  }
0xe: {  	s14 =	sadd.s32 s9, s3;
	s7 =	sshrl.u32 s7, $0x3;
	s8 =	sadd.s32 s29, s5  }
0xf: {  	s14 =	sshrl.u32 s14, $0x3;
	s10 =	sadd.s32 s7, s5;
	s7 =	sshrl.u32 s28, $0x3  }
0x10: {  	s11 =	sadd.s32 s7, s5;
	s5 =	sadd.s32 $0x2F000, s8;
	s7 =	sadd.s32 $0x42C00, s8  }
0x11: {  	s8 =	sadd.s32 $0x25000, s10;
	s9 =	sadd.s32 $0xC200, s10;
	s10 =	sadd.s32 $0x56800, s11  }
0x12: {  	s11 =	smax.u32 s12, $0x1;
	s12 =	sshrl.u32 s13, $0x3;
	s13 =	simm.s32 $0x3  }
.LBB2_1:
0x13: {  	[spmem:s12], [sflag:s6] =	dma.local [hbm:s5], $0x13C0  }
0x14: {  	_ =	swait.ge [sflag:s13], $0x13C0  }
0x15: {  	[sflag:s13] =	ssyncset.done $0x0  }
0x16: {  	[sflag:s13] =	ssyncadd.s32 $0xFFFFEC40  }
0x17: {  	[spmem:s14], [sflag:s6] =	dma.local [hbm:s7], $0x13C0  }
0x18: {  	_ =	swait.ge [sflag:s13], $0x13C0  }
0x19: {  	[sflag:s13] =	ssyncset.done $0x0  }
0x1a: {  	[sflag:s13] =	ssyncadd.s32 $0xFFFFEC40  }
0x1b: {  	[tilespmem:s4], [sflag:$0x3] =	stream.linear.gather [hbm4b:s8+s4], $0x2800, $0x38;
	[tilespmem:$0x1CC00] =	vst v63  }
0x1c: {  	_ =	swait.ge [sflag:s13], $0x2800  }
0x1d: {  	[sflag:s13] =	ssyncset.done $0x0  }
0x1e: {  	[sflag:s13] =	ssyncadd.s32 $0xFFFFD800  }
0x1f: {  	[tilespmem:s15], [sflag:$0x3] =	stream.linear.gather [hbm4b:s9+s4], $0x2800, $0x38;
	[tilespmem:$0x1CC00] =	vst v63  }
0x20: {  	_ =	swait.ge [sflag:s13], $0x2800  }
0x21: {  	[sflag:s13] =	ssyncset.done $0x0  }
0x22: {  	[sflag:s13] =	ssyncadd.s32 $0xFFFFD800  }
0x23: {  	[bflag:$0x0] =	sbarrier.arrive $0xFFFF  }
0x24: {  	[tilespmem:s17], [sflag:$0x1] =	stream.indirect.gather [spmem:s2], $0x40, s4, s16, $0xb8;
	[tilespmem:$0x1CC00] =	vst v63  }
0x25: {  	s25 =	simm.s32 $0x80  }
0x26: {  	[tilespmem:s18], [sflag:$0x2] =	stream.indirect.gather [spmem:s2], $0x40, s25, s16, $0xb8;
	[tilespmem:$0x1CC00] =	vst v63  }
0x27: {  	_ =	swait.ge [sflag:s19], $0x2000  }
0x28: {  	[sflag:s19] =	ssyncset.done $0x0  }
0x29: {  	s29 =	simm.s32 $0x2800;
	[sflag:s19] =	ssyncadd.s32 $0xFFFFE000  }
0x2a: {  	[spmem:s3] =	stream.indirect.scatter.add.f32 [tilespmem:s17], [sflag:$0x3], $0x40, s29, s16, $0xb8;
	[tilespmem:$0x1CC00] =	vst v63  }
0x2b: {  	_ =	swait.ge [sflag:s13], $0x2000  }
0x2c: {  	[sflag:s13] =	ssyncset.done $0x0  }
0x2d: {  	s30 =	simm.s32 $0x100;
	[sflag:s13] =	ssyncadd.s32 $0xFFFFE000  }
0x2e: {  	[tilespmem:s17], [sflag:$0x1] =	stream.indirect.gather [spmem:s2], $0x40, s30, s16, $0xb8;
	[tilespmem:$0x1CC00] =	vst v63  }
0x2f: {  	_ =	swait.ge [sflag:s20], $0x2000  }
0x30: {  	[sflag:s20] =	ssyncset.done $0x0  }
0x31: {  	s31 =	simm.s32 $0x2880;
	[sflag:s20] =	ssyncadd.s32 $0xFFFFE000  }
0x32: {  	[spmem:s3] =	stream.indirect.scatter.add.f32 [tilespmem:s18], [sflag:$0x3], $0x40, s31, s16, $0xb8;
	[tilespmem:$0x1CC00] =	vst v63  }
0x33: {  	_ =	swait.ge [sflag:s13], $0x2000  }
0x34: {  	s26 =	simm.s32 $0x800;
	s25 =	simm.s32 $0x100;
	[sflag:s13] =	ssyncset.done $0x0  }
.LBB2_2:
0x35: {  	s28 =	sadd.s32 $0x80, s25  }
0x36: {  	[sflag:s13] =	ssyncadd.s32 $0xFFFFE000;
	s29 =	smov.u32 s26;
	s30 =	sadd.s32 $0x400, s26  }
0x37: {  	[tilespmem:s18], [sflag:$0x2] =	stream.indirect.gather [spmem:s2], $0x40, s28, s16, $0xb8;
	[tilespmem:$0x1CC00] =	vst v63  }
0x38: {  	p0 =	sne.s32 s26, $0x9800;
	_ =	swait.ge [sflag:s19], $0x2000  }
0x39: {  	[sflag:s19] =	ssyncset.done $0x0  }
0x3a: {  	s26 =	sadd.s32 $0x2800, s25;
	[sflag:s19] =	ssyncadd.s32 $0xFFFFE000  }
0x3b: {  	[spmem:s3] =	stream.indirect.scatter.add.f32 [tilespmem:s17], [sflag:$0x3], $0x40, s26, s16, $0xb8;
	[tilespmem:$0x1CC00] =	vst v63  }
0x3c: {  	_ =	swait.ge [sflag:s13], $0x2000  }
0x3d: {  	[sflag:s13] =	ssyncset.done $0x0  }
0x3e: {  	s26 =	sadd.s32 $0x100, s25;
	[sflag:s13] =	ssyncadd.s32 $0xFFFFE000  }
0x3f: {  	[tilespmem:s17], [sflag:$0x1] =	stream.indirect.gather [spmem:s2], $0x40, s26, s16, $0xb8;
	[tilespmem:$0x1CC00] =	vst v63  }
0x40: {  	_ =	swait.ge [sflag:s20], $0x2000  }
.Ltmp0:
0x41: {  	[sflag:s20] =	ssyncset.done $0x0;
	(pc) =	sbr.rel @p0 .LBB2_2-.Ltmp0, $4  }
0x42: {  	s25 =	sadd.s32 $0x2880, s25;
	[sflag:s20] =	ssyncadd.s32 $0xFFFFE000  }
0x43: {  	[spmem:s3] =	stream.indirect.scatter.add.f32 [tilespmem:s18], [sflag:$0x3], $0x40, s25, s16, $0xb8;
	[tilespmem:$0x1CC00] =	vst v63  }
0x44: {  	_ =	swait.ge [sflag:s13], $0x2000  }
0x45: {  	s26 =	smov.u32 s30;
	s25 =	sshra.s32 s29, $0x2;
	[sflag:s13] =	ssyncset.done $0x0  }
0x46: {  	s26 =	sadd.s32 $0x80, s25;
	[sflag:s13] =	ssyncadd.s32 $0xFFFFE000  }
0x47: {  	[tilespmem:s18], [sflag:$0x2] =	stream.indirect.gather [spmem:s2], $0x40, s26, s16, $0xb8;
	[tilespmem:$0x1CC00] =	vst v63  }
0x48: {  	_ =	swait.ge [sflag:s19], $0x2000  }
0x49: {  	[sflag:s19] =	ssyncset.done $0x0  }
0x4a: {  	s29 =	sadd.s32 $0x2800, s25;
	[sflag:s19] =	ssyncadd.s32 $0xFFFFE000  }
0x4b: {  	[spmem:s3] =	stream.indirect.scatter.add.f32 [tilespmem:s17], [sflag:$0x3], $0x40, s29, s16, $0xb8;
	[tilespmem:$0x1CC00] =	vst v63  }
0x4c: {  	_ =	swait.ge [sflag:s13], $0x2000  }
0x4d: {  	[sflag:s13] =	ssyncset.done $0x0  }
0x4e: {  	s30 =	sadd.s32 $0x100, s25;
	[sflag:s13] =	ssyncadd.s32 $0xFFFFE000  }
0x4f: {  	[tilespmem:s17], [sflag:$0x1] =	stream.indirect.gather [spmem:s2], $0x40, s30, s16, $0xb8;
	[tilespmem:$0x1CC00] =	vst v63  }
0x50: {  	_ =	swait.ge [sflag:s20], $0x2000  }
0x51: {  	[sflag:s20] =	ssyncset.done $0x0  }
0x52: {  	s31 =	sadd.s32 $0x2880, s25;
	[sflag:s20] =	ssyncadd.s32 $0xFFFFE000  }
0x53: {  	[spmem:s3] =	stream.indirect.scatter.add.f32 [tilespmem:s18], [sflag:$0x3], $0x40, s31, s16, $0xb8;
	[tilespmem:$0x1CC00] =	vst v63  }
0x54: {  	_ =	swait.ge [sflag:s13], $0x2000  }
0x55: {  	[sflag:s13] =	ssyncset.done $0x0  }
0x56: {  	[sflag:s13] =	ssyncadd.s32 $0xFFFFE000  }
0x57: {  	[tilespmem:s18], [sflag:$0x2] =	stream.indirect.gather [spmem:s2], $0x40, s21, s16, $0xb8;
	[tilespmem:$0x1CC00] =	vst v63  }
0x58: {  	_ =	swait.ge [sflag:s19], $0x2000  }
0x59: {  	[sflag:s19] =	ssyncset.done $0x0  }
0x5a: {  	[sflag:s19] =	ssyncadd.s32 $0xFFFFE000  }
0x5b: {  	[spmem:s3] =	stream.indirect.scatter.add.f32 [tilespmem:s17], [sflag:$0x3], $0x40, s22, s16, $0xb8;
	[tilespmem:$0x1CC00] =	vst v63  }
0x5c: {  	_ =	swait.ge [sflag:s13], $0x2000  }
0x5d: {  	[sflag:s13] =	ssyncset.done $0x0  }
0x5e: {  	[sflag:s13] =	ssyncadd.s32 $0xFFFFE000  }
0x5f: {  	_ =	swait.ge [sflag:s20], $0x2000  }
0x60: {  	[sflag:s20] =	ssyncset.done $0x0  }
0x61: {  	[sflag:s20] =	ssyncadd.s32 $0xFFFFE000  }
0x62: {  	[spmem:s3] =	stream.indirect.scatter.add.f32 [tilespmem:s18], [sflag:$0x3], $0x40, s23, s16, $0xb8;
	[tilespmem:$0x1CC00] =	vst v63  }
0x63: {  	_ =	swait.ge [sflag:s13], $0x2000  }
0x64: {  	s24 =	sadd.s32 $0x1, s24;
	[sflag:s13] =	ssyncset.done $0x0  }
0x65: {  	p0 =	sne.s32 s24, s11;
	[sflag:s13] =	ssyncadd.s32 $0xFFFFE000  }
.Ltmp1:
0x66: {  	[bflag:$0x0] =	sbarrier.arrive $0xFFFF;
	(pc) =	sbr.rel @p0 .LBB2_1-.Ltmp1, $4  }
0x67: {  	[hbm:s10], [sflag:s6] =	dma.local [spmem:s14], $0x13C0  }
0x68: {  	_ =	swait.ge [sflag:s13], $0x13C0  }
0x69: {  	[sflag:s13] =	ssyncset.done $0x0  }
0x6a: {  	[sflag:s13] =	ssyncadd.s32 $0xFFFFEC40  }
0x6b: {  	_ =	sfence.sel $0x180000  }
0x6c: {  	[bflag:$0x0] =	sbarrier.arrive $0xFFFF  }
0x6d: {  	p0 =	sne.s32 s0, $0x0;
	_ =	strace $0x9000004A  }
0x6e: {  	s0 =	sadd.s32 @!p0 $0x100000, s1;
	[bflag:$0x2] =	sbarrier.arrive $0xFFFF  }
0x6f: {  	[sflag:s0] =	ssyncadd.tile.s32 @!p0 $0x1;
	_ =	shalt  }
.Lfunc_end2:
_tile_overlayer_lowered:
.L_overlay_start_2:
0x70: {  	(tag) =	ssettag $0x2  }
0x71: {  	s0 =	rddreg [dreg:$0x0];
	s2 =	stileid.u32  }
0x72: {  	s1 =	rddreg [dreg:$0x1];
	p0 =	sne.s32 s2, $0x0  }
0x73: {  	s3 =	rddreg [dreg:$0x2];
	[bflag:$0x3] =	sbarrier.arrive $0xFFFF;
	s2 =	simm.s32 @!p0 $0x1C03  }
0x74: {  	[timem:s3], [sflag:s2] =	dma.local @!p0 [hbm:s0], s1  }
0x75: {  	s0 =	simm.s32 @!p0 $0x3  }
0x76: {  	_ =	swait.ge @!p0 [sflag:s0], s1  }
0x77: {  	s1 =	ssub.s32 @!p0 $0x0, s1;
	[sflag:s0] =	ssyncset.done @!p0 $0x0  }
0x78: {  	[sflag:s0] =	ssyncadd.s32 @!p0 s1  }
0x79: {  	[bflag:$0x3] =	sbarrier.arrive $0xFFFF  }
0x7a: {  	_ =	shalt  }

// kernel: kernel.15.cloned.1.call-start
scs
__scs_entry_jumppad:
0x0: {  	(pc) =	sbr.rel $0x88, $3  }
0x1: {  	(tag) =	ssettag $0x0;
	lr =	simm.s32 $0x1  }
0x2: {  	[smem:$0x3F96] =	sst lr;
	_ =	strace $0xD0000000  }
0x3: {  	_ = 	snop  }
0x4: {  	_ = 	snop  }
0x5: {  	_ = 	snop  }
0x6: {  	_ = 	snop  }
0x7: {  	_ = 	snop  }
__scs_overlays_trampoline_lowered:
0x8: {  	[smem:$0x3FA5] =	sst s0  }
0x9: {  	[smem:$0x3FA6] =	sst s1  }
0xa: {  	[smem:$0x3FA7] =	sst s2  }
0xb: {  	[smem:$0x3FA8] =	sst s3  }
0xc: {  	[smem:$0x3FA9] =	sst s4  }
0xd: {  	[smem:$0x3FAA] =	sst s5  }
0xe: {  	[smem:$0x3FAB] =	sst s6  }
0xf: {  	[smem:$0x3FAC] =	sst s7  }
0x10: {  	[smem:$0x3FAD] =	sst s8  }
0x11: {  	[smem:$0x3FAE] =	sst s9;
	s0 =	simm.s32 @!p0 $0x0  }
0x12: {  	s1 =	sld [smem:$0x3F94];
	s0 =	simm.s32 @p0 $0x1  }
0x13: {  	[smem:$0x3FAF] =	sst s0;
	s0 =	simm.s32 @!p1 $0x0  }
0x14: {  	s2 =	sld [smem:$0x3F93];
	s0 =	simm.s32 @p1 $0x1  }
0x15: {  	[smem:$0x3FB0] =	sst s0;
	s0 =	simm.s32 @!p2 $0x0  }
0x16: {  	s3 =	sld [smem:$0x3FDB];
	s0 =	simm.s32 @p2 $0x1  }
0x17: {  	s4 =	simm.s32 $0x1BF5;
	[smem:$0x3FB2] =	sst s0  }
0x18: {  	s0 =	sld [smem:$0x3F95];
	_ =	swait.ge [sflag:s4], $0x0  }
0x19: {  	s7 =	sld [smem:$0x3F96]  }
0x1a: {  	s8 =	sadd.s32 $0xFFFFE003, lr  }
0x1b: {  	s9 =	sadd.s32 $0xFFFFFEF7, lr;
	s5 =	simm.s32 $0xFFFFFFFF;
	p2 =	slt.u32 s8, $0xFFFFF086  }
0x1c: {  	p1 =	slt.u32 s9, $0xF7A;
	s5 =	simm.s32 @!p2 $0x0  }
0x1d: {  	s5 =	simm.s32 @p1 $0x1;
	p0 =	seq.s32 s7, s2  }
0x1e: {  	s7 =	smul.u32 @!p0 $0xF7A, s2;
	p2 =	seq.s32 @!p0 s5, $0x0  }
0x1f: {  	s9 =	smul.u32 $0xF7A, s1;
	s8 =	simm.s32 @!p0 $0x1BF5;
	p2 =	por !p2, p0  }
0x20: {  	[sflag:s8] =	ssyncset.s32 @!p0 $0xFFFFF086;
	s6 =	sadd.s32 @!p0 s3, s7;
	s7 =	simm.s32 @!p0 $0x108  }
0x21: {  	s3 =	sadd.s32 s3, s9;
	s6 =	sadd.s32 @!p0 $0x88, s6;
	s7 =	simm.s32 @p2 $0x1082  }
0x22: {  	[simem:s7], [sflag:s8] =	dma.local @!p0 [hbm:s6], $0xF7A  }
0x23: {  	s9 =	sor.u32 $0xD0000000, s2;
	s6 =	simm.s32 $0x108;
	_ =	swait.ge @!p0 [sflag:s8], $0x0  }
0x24: {  	s3 =	sadd.s32 $0x88, s3;
	s6 =	simm.s32 @!p1 $0x1082;
	[sflag:s4] =	ssyncset.s32 $0xFFFFF086  }
0x25: {  	[simem:s6], [sflag:s4] =	dma.local [hbm:s3], $0xF7A  }
0x26: {  	[smem:$0x3F96] =	sst s1;
	(tag) =	ssettag s2;
	_ =	strace s9  }
0x27: {  	s1 =	sld [smem:$0x3FA6]  }
0x28: {  	s2 =	sld [smem:$0x3FA7]  }
0x29: {  	s4 =	sld [smem:$0x3FA9]  }
0x2a: {  	p0 =	seq.s32 s5, $0x0;
	s5 =	sld [smem:$0x3FAA]  }
0x2b: {  	s6 =	sld [smem:$0x3FAB]  }
0x2c: {  	s7 =	sld [smem:$0x3FAC]  }
0x2d: {  	s3 =	simm.s32 $0x108;
	s8 =	sld [smem:$0x3FAD]  }
0x2e: {  	s3 =	simm.s32 @!p0 $0x1082;
	s9 =	sld [smem:$0x3FAE]  }
0x2f: {  	lr =	sadd.s32 s0, s3;
	s0 =	sld [smem:$0x3FA5]  }
0x30: {  	s3 =	sld [smem:$0x3FA8]  }
0x31: {  	[smem:$0x3FB1] =	sst s10  }
0x32: {  	s10 =	sld [smem:$0x3FAF];
	_ =	sdelay $0x3  }
0x33: {  	p0 =	seq.s32 s10, $0x1;
	s10 =	sld [smem:$0x3FB1];
	_ =	sdelay $0x3  }
0x34: {  	[smem:$0x3FB1] =	sst s10  }
0x35: {  	s10 =	sld [smem:$0x3FB0];
	_ =	sdelay $0x3  }
0x36: {  	p1 =	seq.s32 s10, $0x1;
	s10 =	sld [smem:$0x3FB1];
	_ =	sdelay $0x3  }
0x37: {  	[smem:$0x3FB1] =	sst s10  }
0x38: {  	s10 =	sld [smem:$0x3FB2]  }
0x39: {  	_ = 	snop;
	(pc) =	sbr.ind lr, $3  }
0x3a: {  	_ = 	snop  }
0x3b: {  	_ = 	snop  }
0x3c: {  	p2 =	seq.s32 s10, $0x1;
	s10 =	sld [smem:$0x3FB1]  }
0x3d: {  	_ =	shalt  }
0x3e: {  	_ =	shalt  }
0x3f: {  	_ =	shalt  }
0x40: {  	_ =	shalt  }
0x41: {  	_ =	shalt  }
0x42: {  	_ =	shalt  }
0x43: {  	_ =	shalt  }
0x44: {  	_ =	shalt  }
0x45: {  	_ =	shalt  }
0x46: {  	_ =	shalt  }
0x47: {  	_ =	shalt  }
0x48: {  	_ =	shalt  }
0x49: {  	_ =	shalt  }
0x4a: {  	_ =	shalt  }
0x4b: {  	_ =	shalt  }
0x4c: {  	_ =	shalt  }
0x4d: {  	_ =	shalt  }
0x4e: {  	_ =	shalt  }
0x4f: {  	_ =	shalt  }
0x50: {  	_ =	shalt  }
0x51: {  	_ =	shalt  }
0x52: {  	_ =	shalt  }
0x53: {  	_ =	shalt  }
0x54: {  	_ =	shalt  }
0x55: {  	_ =	shalt  }
0x56: {  	_ =	shalt  }
0x57: {  	_ =	shalt  }
0x58: {  	_ =	shalt  }
0x59: {  	_ =	shalt  }
0x5a: {  	_ =	shalt  }
0x5b: {  	_ =	shalt  }
0x5c: {  	_ =	shalt  }
0x5d: {  	_ =	shalt  }
0x5e: {  	_ =	shalt  }
0x5f: {  	_ =	shalt  }
0x60: {  	_ =	shalt  }
0x61: {  	_ =	shalt  }
0x62: {  	_ =	shalt  }
0x63: {  	_ =	shalt  }
0x64: {  	_ =	shalt  }
0x65: {  	_ =	shalt  }
0x66: {  	_ =	shalt  }
0x67: {  	_ =	shalt  }
0x68: {  	_ =	shalt  }
0x69: {  	_ =	shalt  }
0x6a: {  	_ =	shalt  }
0x6b: {  	_ =	shalt  }
0x6c: {  	_ =	shalt  }
0x6d: {  	_ =	shalt  }
0x6e: {  	_ =	shalt  }
0x6f: {  	_ =	shalt  }
0x70: {  	_ =	shalt  }
0x71: {  	_ =	shalt  }
0x72: {  	_ =	shalt  }
0x73: {  	_ =	shalt  }
0x74: {  	_ =	shalt  }
0x75: {  	_ =	shalt  }
0x76: {  	_ =	shalt  }
0x77: {  	_ =	shalt  }
0x78: {  	_ =	shalt  }
0x79: {  	_ =	shalt  }
0x7a: {  	_ =	shalt  }
0x7b: {  	_ =	shalt  }
0x7c: {  	_ =	shalt  }
0x7d: {  	_ =	shalt  }
0x7e: {  	_ =	shalt  }
0x7f: {  	_ =	shalt  }
0x80: {  	_ =	shalt  }
0x81: {  	_ =	shalt  }
0x82: {  	_ =	shalt  }
0x83: {  	_ =	shalt  }
0x84: {  	_ =	shalt  }
0x85: {  	_ =	shalt  }
0x86: {  	_ =	shalt  }
0x87: {  	_ =	shalt  }
.Lfunc_end0:
.L_simem_size_0:
called_computation.2_lowered:
.L_overlay_start_0:
0x88: {  	s2 =	sld [smem:$0x3FD9]  }
0x89: {  	s3 =	sld [smem:$0x3FFE];
	_ =	sdelay $0x1  }
0x8a: {  	s1 =	srdreg.scid  }
0x8b: {  	s0 =	sand.u32 $0x1, s1  }
0x8c: {  	s16 =	sshll.u32 s0, $0xA;
	s2 =	sadd.s32 s3, s2  }
0x8d: {  	s2 =	sadd.s32 s2, s16  }
0x8e: {  	[smem:$0x3FBD] =	sst s2  }
0x8f: {  	_ = 	snop  }
0x90: {  	(tm) =	ssettm $0x1  }
0x91: {  	s17 =	sld [smem:$0x3FFB];
	_ =	sdelay $0x3  }
0x92: {  	_ =	strace s17  }
0x93: {  	s2 =	sld [smem:$0x3FFC];
	_ =	sdelay $0x3  }
0x94: {  	_ =	strace s2  }
0x95: {  	s2 =	sld [smem:$0x3FFD];
	_ =	sdelay $0x3  }
0x96: {  	_ =	strace s2  }
0x97: {  	_ =	strace $0x8FFFFFFF  }
0x98: {  	s18 =	sld [smem:$0x3FDB];
	_ =	sdelay $0x1  }
0x99: {  	s19 =	simm.s32 $_scs_section_size  }
0x9a: {  	s4 =	simm.s32 $_size__tile_overlayer_lowered;
	s5 =	simm.s32 $_tile_overlayer_lowered  }
0x9b: {  	s22 =	simm.s32 $0x1BFF;
	s21 =	sshll.u32 s5, $0x1;
	s2 =	sadd.s32 s19, s18  }
0x9c: {  	s6 =	simm.s32 $0x0;
	s20 =	sshll.u32 s4, $0x1;
	s4 =	sadd.s32 s21, s2  }
0x9d: {  	[timem:s6], [sflag:s22] =	dma.local [hbm:s4], s20  }
0x9e: {  	_ =	swait.ge [sflag:s22], s20  }
0x9f: {  	s3 =	ssub.s32 $0x0, s20;
	[sflag:s22] =	ssyncset.done $0x0  }
0xa0: {  	[sflag:s22] =	ssyncadd.s32 s3;
	_ =	sdelay $0x1  }
0xa1: {  	s23 =	simm.s32 $0x1B8B  }
0xa2: {  	_ =	swait.ge [sflag:s23], $0x1  }
0xa3: {  	[sflag:s23] =	ssyncset.done $0x0  }
0xa4: {  	s25 =	simm.s32 $0x1B8E;
	s24 =	sld [smem:$0x3FFE];
	[sflag:s23] =	ssyncadd.s32 $0xFFFFFFFF  }
0xa5: {  	s26 =	simm.s32 $execute0_lowered;
	[smem:$0x3FD2] =	sst s25  }
0xa6: {  	s4 =	sshll.u32 s26, $0x1;
	_ =	strace $0x8000004C;
	[dreg:$0x1] =	wrdreg $0xFFFFFFFF  }
0xa7: {  	s28 =	simm.s32 $_size_execute0_lowered;
	s2 =	sadd.s32 s2, s4;
	[dreg:$0x0] =	wrdreg $0x0  }
0xa8: {  	s4 =	sshll.u32 s28, $0x1;
	[dreg:$0x2] =	wrdreg s2  }
0xa9: {  	[dreg:$0x3] =	wrdreg s4  }
0xaa: {  	[dreg:$0x4] =	wrdreg $0xC0  }
0xab: {  	_ =	task [dreg:s6], $0x5FFFF  }
0xac: {  	[dreg:$0x1] =	wrdreg $0xFFFFFFFF  }
0xad: {  	[dreg:$0x0] =	wrdreg $0x60  }
0xae: {  	[dreg:$0x2] =	wrdreg s24  }
0xaf: {  	[dreg:$0x3] =	wrdreg $0x90000  }
0xb0: {  	[dreg:$0x4] =	wrdreg $0x12E000  }
0xb1: {  	[dreg:$0x5] =	wrdreg $0x9  }
0xb2: {  	_ =	task.clear_ibuf [dreg:s6], $0x6FFFF;
	_ =	strace $0x9000004C  }
0xb3: {  	s29 =	simm.s32 $0x9;
	_ =	strace $0x8000004E  }
0xb4: {  	_ =	swait.ge [sflag:s29], $0x1  }
0xb5: {  	[sflag:s29] =	ssyncadd.s32 $0xFFFFFFFF  }
0xb6: {  	_ =	strace $0x9000004E  }
0xb7: {  	_ =	sfence  }
0xb8: {  	s30 =	sld [smem:$0x0];
	_ =	sdelay $0x2  }
0xb9: {  	s31 =	sshll.u32 s1, $0xD;
	s1 =	sshrl.u32 s1, $0x2  }
0xba: {  	s3 =	sand.u32 $0x4000, s31;
	s1 =	sadd.s32 s1, s30  }
0xbb: {  	s0 =	sor.u32 s3, s0;
	s1 =	sshll.u32 s1, $0x11  }
0xbc: {  	s0 =	sor.u32 s1, s0  }
0xbd: {  	s0 =	sadd.s32 $0x8F2B, s0  }
0xbe: {  	[sflag:s0] =	ssyncadd.remote.s32 $0x1  }
0xbf: {  	_ =	sfence.sel $0xFFFF  }
0xc0: {  	[dreg:$0x0] =	wrdreg $0xFFFFFFFF;
	(pc) =	sbr.abs _section_cstart, $3  }
0xc1: {  	[dreg:$0x1] =	wrdreg $0xFFFFFFFF  }
0xc2: {  	_ =	task.clear_ibuf [dreg:s6], $0x2FFFF;
	_ =	strace $0x9FFFFFFF  }
0xc3: {  	(tm) =	ssettm $0x7FFFFFFF  }
tec
execute0_lowered:
.L_overlay_start_1:
0x0: {  	(tag) =	ssettag $0x1  }
0x1: {  	s5 =	rddreg [dreg:$0x0]  }
0x2: {  	s2 =	rddreg [dreg:$0x1]  }
0x3: {  	s3 =	rddreg [dreg:$0x2]  }
0x4: {  	s0 =	srdreg.scid;
	s1 =	rddreg [dreg:$0x3];
	s4 =	simm.s32 $0x0  }
0x5: {  	s15 =	simm.s32 $0x2800;
	s16 =	simm.s32 $0x80;
	s17 =	simm.s32 $0x5000  }
0x6: {  	s18 =	simm.s32 $0x7000;
	s19 =	simm.s32 $0x1;
	s6 =	sand.u32 $0x1, s0  }
0x7: {  	s20 =	simm.s32 $0x2;
	s0 =	stileid.u32;
	s7 =	smul.u32 $0x28000, s6  }
0x8: {  	s21 =	simm.s32 $0x2780;
	s22 =	simm.s32 $0x4F00;
	s8 =	smul.u32 $0x2800, s0  }
0x9: {  	s23 =	simm.s32 $0x4F80;
	s24 =	simm.s32 $0x0;
	s9 =	smul.u32 $0x9E00, s0  }
0xa: {  	[smem:$0x7FF] =	sst s4;
	s26 =	smul.u32 $0x9E000, s6;
	s6 =	ssub.s32 $0x2, s6  }
0xb: {  	_ =	strace $0x8000004D;
	s31 =	sshll.u32 s0, $0x6;
	s30 =	sshrl.u32 s6, $0x1  }
0xc: {  	s7 =	sadd.s32 s8, s7;
	s28 =	sadd.s32 s9, s26;
	s29 =	sshrl.u32 s9, $0x3  }
0xd: {  	s12 =	ssub.s32 s6, s30;
	s13 =	sadd.s32 s9, s2;
	s6 =	sor.u32 $0x1C03, s31  }
0xe: {  	s14 =	sadd.s32 s9, s3;
	s7 =	sshrl.u32 s7, $0x3;
	s8 =	sadd.s32 s29, s5  }
0xf: {  	s14 =	sshrl.u32 s14, $0x3;
	s10 =	sadd.s32 s7, s5;
	s7 =	sshrl.u32 s28, $0x3  }
0x10: {  	s11 =	sadd.s32 s7, s5;
	s5 =	sadd.s32 $0x2F000, s8;
	s7 =	sadd.s32 $0x42C00, s8  }
0x11: {  	s8 =	sadd.s32 $0x25000, s10;
	s9 =	sadd.s32 $0xC200, s10;
	s10 =	sadd.s32 $0x56800, s11  }
0x12: {  	s11 =	smax.u32 s12, $0x1;
	s12 =	sshrl.u32 s13, $0x3;
	s13 =	simm.s32 $0x3  }
.LBB2_1:
0x13: {  	[spmem:s12], [sflag:s6] =	dma.local [hbm:s5], $0x13C0  }
0x14: {  	_ =	swait.ge [sflag:s13], $0x13C0  }
0x15: {  	[sflag:s13] =	ssyncset.done $0x0  }
0x16: {  	[sflag:s13] =	ssyncadd.s32 $0xFFFFEC40  }
0x17: {  	[spmem:s14], [sflag:s6] =	dma.local [hbm:s7], $0x13C0  }
0x18: {  	_ =	swait.ge [sflag:s13], $0x13C0  }
0x19: {  	[sflag:s13] =	ssyncset.done $0x0  }
0x1a: {  	[sflag:s13] =	ssyncadd.s32 $0xFFFFEC40  }
0x1b: {  	[tilespmem:s4], [sflag:$0x3] =	stream.linear.gather [hbm4b:s8+s4], $0x2800, $0x38;
	[tilespmem:$0x1CC00] =	vst v63  }
0x1c: {  	_ =	swait.ge [sflag:s13], $0x2800  }
0x1d: {  	[sflag:s13] =	ssyncset.done $0x0  }
0x1e: {  	[sflag:s13] =	ssyncadd.s32 $0xFFFFD800  }
0x1f: {  	[tilespmem:s15], [sflag:$0x3] =	stream.linear.gather [hbm4b:s9+s4], $0x2800, $0x38;
	[tilespmem:$0x1CC00] =	vst v63  }
0x20: {  	_ =	swait.ge [sflag:s13], $0x2800  }
0x21: {  	[sflag:s13] =	ssyncset.done $0x0  }
0x22: {  	[sflag:s13] =	ssyncadd.s32 $0xFFFFD800  }
0x23: {  	[bflag:$0x0] =	sbarrier.arrive $0xFFFF  }
0x24: {  	[tilespmem:s17], [sflag:$0x1] =	stream.indirect.gather [spmem:s2], $0x40, s4, s16, $0xb8;
	[tilespmem:$0x1CC00] =	vst v63  }
0x25: {  	s25 =	simm.s32 $0x80  }
0x26: {  	[tilespmem:s18], [sflag:$0x2] =	stream.indirect.gather [spmem:s2], $0x40, s25, s16, $0xb8;
	[tilespmem:$0x1CC00] =	vst v63  }
0x27: {  	_ =	swait.ge [sflag:s19], $0x2000  }
0x28: {  	[sflag:s19] =	ssyncset.done $0x0  }
0x29: {  	s29 =	simm.s32 $0x2800;
	[sflag:s19] =	ssyncadd.s32 $0xFFFFE000  }
0x2a: {  	[spmem:s3] =	stream.indirect.scatter.add.f32 [tilespmem:s17], [sflag:$0x3], $0x40, s29, s16, $0xb8;
	[tilespmem:$0x1CC00] =	vst v63  }
0x2b: {  	_ =	swait.ge [sflag:s13], $0x2000  }
0x2c: {  	[sflag:s13] =	ssyncset.done $0x0  }
0x2d: {  	s30 =	simm.s32 $0x100;
	[sflag:s13] =	ssyncadd.s32 $0xFFFFE000  }
0x2e: {  	[tilespmem:s17], [sflag:$0x1] =	stream.indirect.gather [spmem:s2], $0x40, s30, s16, $0xb8;
	[tilespmem:$0x1CC00] =	vst v63  }
0x2f: {  	_ =	swait.ge [sflag:s20], $0x2000  }
0x30: {  	[sflag:s20] =	ssyncset.done $0x0  }
0x31: {  	s31 =	simm.s32 $0x2880;
	[sflag:s20] =	ssyncadd.s32 $0xFFFFE000  }
0x32: {  	[spmem:s3] =	stream.indirect.scatter.add.f32 [tilespmem:s18], [sflag:$0x3], $0x40, s31, s16, $0xb8;
	[tilespmem:$0x1CC00] =	vst v63  }
0x33: {  	_ =	swait.ge [sflag:s13], $0x2000  }
0x34: {  	s26 =	simm.s32 $0x800;
	s25 =	simm.s32 $0x100;
	[sflag:s13] =	ssyncset.done $0x0  }
.LBB2_2:
0x35: {  	s28 =	sadd.s32 $0x80, s25  }
0x36: {  	[sflag:s13] =	ssyncadd.s32 $0xFFFFE000;
	s29 =	smov.u32 s26;
	s30 =	sadd.s32 $0x400, s26  }
0x37: {  	[tilespmem:s18], [sflag:$0x2] =	stream.indirect.gather [spmem:s2], $0x40, s28, s16, $0xb8;
	[tilespmem:$0x1CC00] =	vst v63  }
0x38: {  	p0 =	sne.s32 s26, $0x9800;
	_ =	swait.ge [sflag:s19], $0x2000  }
0x39: {  	[sflag:s19] =	ssyncset.done $0x0  }
0x3a: {  	s26 =	sadd.s32 $0x2800, s25;
	[sflag:s19] =	ssyncadd.s32 $0xFFFFE000  }
0x3b: {  	[spmem:s3] =	stream.indirect.scatter.add.f32 [tilespmem:s17], [sflag:$0x3], $0x40, s26, s16, $0xb8;
	[tilespmem:$0x1CC00] =	vst v63  }
0x3c: {  	_ =	swait.ge [sflag:s13], $0x2000  }
0x3d: {  	[sflag:s13] =	ssyncset.done $0x0  }
0x3e: {  	s26 =	sadd.s32 $0x100, s25;
	[sflag:s13] =	ssyncadd.s32 $0xFFFFE000  }
0x3f: {  	[tilespmem:s17], [sflag:$0x1] =	stream.indirect.gather [spmem:s2], $0x40, s26, s16, $0xb8;
	[tilespmem:$0x1CC00] =	vst v63  }
0x40: {  	_ =	swait.ge [sflag:s20], $0x2000  }
.Ltmp0:
0x41: {  	[sflag:s20] =	ssyncset.done $0x0;
	(pc) =	sbr.rel @p0 .LBB2_2-.Ltmp0, $4  }
0x42: {  	s25 =	sadd.s32 $0x2880, s25;
	[sflag:s20] =	ssyncadd.s32 $0xFFFFE000  }
0x43: {  	[spmem:s3] =	stream.indirect.scatter.add.f32 [tilespmem:s18], [sflag:$0x3], $0x40, s25, s16, $0xb8;
	[tilespmem:$0x1CC00] =	vst v63  }
0x44: {  	_ =	swait.ge [sflag:s13], $0x2000  }
0x45: {  	s26 =	smov.u32 s30;
	s25 =	sshra.s32 s29, $0x2;
	[sflag:s13] =	ssyncset.done $0x0  }
0x46: {  	s26 =	sadd.s32 $0x80, s25;
	[sflag:s13] =	ssyncadd.s32 $0xFFFFE000  }
0x47: {  	[tilespmem:s18], [sflag:$0x2] =	stream.indirect.gather [spmem:s2], $0x40, s26, s16, $0xb8;
	[tilespmem:$0x1CC00] =	vst v63  }
0x48: {  	_ =	swait.ge [sflag:s19], $0x2000  }
0x49: {  	[sflag:s19] =	ssyncset.done $0x0  }
0x4a: {  	s29 =	sadd.s32 $0x2800, s25;
	[sflag:s19] =	ssyncadd.s32 $0xFFFFE000  }
0x4b: {  	[spmem:s3] =	stream.indirect.scatter.add.f32 [tilespmem:s17], [sflag:$0x3], $0x40, s29, s16, $0xb8;
	[tilespmem:$0x1CC00] =	vst v63  }
0x4c: {  	_ =	swait.ge [sflag:s13], $0x2000  }
0x4d: {  	[sflag:s13] =	ssyncset.done $0x0  }
0x4e: {  	s30 =	sadd.s32 $0x100, s25;
	[sflag:s13] =	ssyncadd.s32 $0xFFFFE000  }
0x4f: {  	[tilespmem:s17], [sflag:$0x1] =	stream.indirect.gather [spmem:s2], $0x40, s30, s16, $0xb8;
	[tilespmem:$0x1CC00] =	vst v63  }
0x50: {  	_ =	swait.ge [sflag:s20], $0x2000  }
0x51: {  	[sflag:s20] =	ssyncset.done $0x0  }
0x52: {  	s31 =	sadd.s32 $0x2880, s25;
	[sflag:s20] =	ssyncadd.s32 $0xFFFFE000  }
0x53: {  	[spmem:s3] =	stream.indirect.scatter.add.f32 [tilespmem:s18], [sflag:$0x3], $0x40, s31, s16, $0xb8;
	[tilespmem:$0x1CC00] =	vst v63  }
0x54: {  	_ =	swait.ge [sflag:s13], $0x2000  }
0x55: {  	[sflag:s13] =	ssyncset.done $0x0  }
0x56: {  	[sflag:s13] =	ssyncadd.s32 $0xFFFFE000  }
0x57: {  	[tilespmem:s18], [sflag:$0x2] =	stream.indirect.gather [spmem:s2], $0x40, s21, s16, $0xb8;
	[tilespmem:$0x1CC00] =	vst v63  }
0x58: {  	_ =	swait.ge [sflag:s19], $0x2000  }
0x59: {  	[sflag:s19] =	ssyncset.done $0x0  }
0x5a: {  	[sflag:s19] =	ssyncadd.s32 $0xFFFFE000  }
0x5b: {  	[spmem:s3] =	stream.indirect.scatter.add.f32 [tilespmem:s17], [sflag:$0x3], $0x40, s22, s16, $0xb8;
	[tilespmem:$0x1CC00] =	vst v63  }
0x5c: {  	_ =	swait.ge [sflag:s13], $0x2000  }
0x5d: {  	[sflag:s13] =	ssyncset.done $0x0  }
0x5e: {  	[sflag:s13] =	ssyncadd.s32 $0xFFFFE000  }
0x5f: {  	_ =	swait.ge [sflag:s20], $0x2000  }
0x60: {  	[sflag:s20] =	ssyncset.done $0x0  }
0x61: {  	[sflag:s20] =	ssyncadd.s32 $0xFFFFE000  }
0x62: {  	[spmem:s3] =	stream.indirect.scatter.add.f32 [tilespmem:s18], [sflag:$0x3], $0x40, s23, s16, $0xb8;
	[tilespmem:$0x1CC00] =	vst v63  }
0x63: {  	_ =	swait.ge [sflag:s13], $0x2000  }
0x64: {  	s24 =	sadd.s32 $0x1, s24;
	[sflag:s13] =	ssyncset.done $0x0  }
0x65: {  	p0 =	sne.s32 s24, s11;
	[sflag:s13] =	ssyncadd.s32 $0xFFFFE000  }
.Ltmp1:
0x66: {  	[bflag:$0x0] =	sbarrier.arrive $0xFFFF;
	(pc) =	sbr.rel @p0 .LBB2_1-.Ltmp1, $4  }
0x67: {  	[hbm:s10], [sflag:s6] =	dma.local [spmem:s14], $0x13C0  }
0x68: {  	_ =	swait.ge [sflag:s13], $0x13C0  }
0x69: {  	[sflag:s13] =	ssyncset.done $0x0  }
0x6a: {  	[sflag:s13] =	ssyncadd.s32 $0xFFFFEC40  }
0x6b: {  	_ =	sfence.sel $0x180000  }
0x6c: {  	[bflag:$0x0] =	sbarrier.arrive $0xFFFF  }
0x6d: {  	p0 =	sne.s32 s0, $0x0;
	_ =	strace $0x9000004D  }
0x6e: {  	s0 =	sadd.s32 @!p0 $0x100000, s1;
	[bflag:$0x2] =	sbarrier.arrive $0xFFFF  }
0x6f: {  	[sflag:s0] =	ssyncadd.tile.s32 @!p0 $0x1;
	_ =	shalt  }
.Lfunc_end2:
_tile_overlayer_lowered:
.L_overlay_start_2:
0x70: {  	(tag) =	ssettag $0x2  }
0x71: {  	s0 =	rddreg [dreg:$0x0];
	s2 =	stileid.u32  }
0x72: {  	s1 =	rddreg [dreg:$0x1];
	p0 =	sne.s32 s2, $0x0  }
0x73: {  	s3 =	rddreg [dreg:$0x2];
	[bflag:$0x3] =	sbarrier.arrive $0xFFFF;
	s2 =	simm.s32 @!p0 $0x1C03  }
0x74: {  	[timem:s3], [sflag:s2] =	dma.local @!p0 [hbm:s0], s1  }
0x75: {  	s0 =	simm.s32 @!p0 $0x3  }
0x76: {  	_ =	swait.ge @!p0 [sflag:s0], s1  }
0x77: {  	s1 =	ssub.s32 @!p0 $0x0, s1;
	[sflag:s0] =	ssyncset.done @!p0 $0x0  }
0x78: {  	[sflag:s0] =	ssyncadd.s32 @!p0 s1  }
0x79: {  	[bflag:$0x3] =	sbarrier.arrive $0xFFFF  }
0x7a: {  	_ =	shalt  }

// kernel: kernel.9.cloned.1.call-start
scs
__scs_entry_jumppad:
0x0: {  	(pc) =	sbr.rel $0x88, $3  }
0x1: {  	(tag) =	ssettag $0x0;
	lr =	simm.s32 $0x1  }
0x2: {  	[smem:$0x3F96] =	sst lr;
	_ =	strace $0xD0000000  }
0x3: {  	_ = 	snop  }
0x4: {  	_ = 	snop  }
0x5: {  	_ = 	snop  }
0x6: {  	_ = 	snop  }
0x7: {  	_ = 	snop  }
__scs_overlays_trampoline_lowered:
0x8: {  	[smem:$0x3FA5] =	sst s0  }
0x9: {  	[smem:$0x3FA6] =	sst s1  }
0xa: {  	[smem:$0x3FA7] =	sst s2  }
0xb: {  	[smem:$0x3FA8] =	sst s3  }
0xc: {  	[smem:$0x3FA9] =	sst s4  }
0xd: {  	[smem:$0x3FAA] =	sst s5  }
0xe: {  	[smem:$0x3FAB] =	sst s6  }
0xf: {  	[smem:$0x3FAC] =	sst s7  }
0x10: {  	[smem:$0x3FAD] =	sst s8  }
0x11: {  	[smem:$0x3FAE] =	sst s9;
	s0 =	simm.s32 @!p0 $0x0  }
0x12: {  	s1 =	sld [smem:$0x3F94];
	s0 =	simm.s32 @p0 $0x1  }
0x13: {  	[smem:$0x3FAF] =	sst s0;
	s0 =	simm.s32 @!p1 $0x0  }
0x14: {  	s2 =	sld [smem:$0x3F93];
	s0 =	simm.s32 @p1 $0x1  }
0x15: {  	[smem:$0x3FB0] =	sst s0;
	s0 =	simm.s32 @!p2 $0x0  }
0x16: {  	s3 =	sld [smem:$0x3FDB];
	s0 =	simm.s32 @p2 $0x1  }
0x17: {  	s4 =	simm.s32 $0x1BF5;
	[smem:$0x3FB2] =	sst s0  }
0x18: {  	s0 =	sld [smem:$0x3F95];
	_ =	swait.ge [sflag:s4], $0x0  }
0x19: {  	s7 =	sld [smem:$0x3F96]  }
0x1a: {  	s8 =	sadd.s32 $0xFFFFE003, lr  }
0x1b: {  	s9 =	sadd.s32 $0xFFFFFEF7, lr;
	s5 =	simm.s32 $0xFFFFFFFF;
	p2 =	slt.u32 s8, $0xFFFFF086  }
0x1c: {  	p1 =	slt.u32 s9, $0xF7A;
	s5 =	simm.s32 @!p2 $0x0  }
0x1d: {  	s5 =	simm.s32 @p1 $0x1;
	p0 =	seq.s32 s7, s2  }
0x1e: {  	s7 =	smul.u32 @!p0 $0xF7A, s2;
	p2 =	seq.s32 @!p0 s5, $0x0  }
0x1f: {  	s9 =	smul.u32 $0xF7A, s1;
	s8 =	simm.s32 @!p0 $0x1BF5;
	p2 =	por !p2, p0  }
0x20: {  	[sflag:s8] =	ssyncset.s32 @!p0 $0xFFFFF086;
	s6 =	sadd.s32 @!p0 s3, s7;
	s7 =	simm.s32 @!p0 $0x108  }
0x21: {  	s3 =	sadd.s32 s3, s9;
	s6 =	sadd.s32 @!p0 $0x88, s6;
	s7 =	simm.s32 @p2 $0x1082  }
0x22: {  	[simem:s7], [sflag:s8] =	dma.local @!p0 [hbm:s6], $0xF7A  }
0x23: {  	s9 =	sor.u32 $0xD0000000, s2;
	s6 =	simm.s32 $0x108;
	_ =	swait.ge @!p0 [sflag:s8], $0x0  }
0x24: {  	s3 =	sadd.s32 $0x88, s3;
	s6 =	simm.s32 @!p1 $0x1082;
	[sflag:s4] =	ssyncset.s32 $0xFFFFF086  }
0x25: {  	[simem:s6], [sflag:s4] =	dma.local [hbm:s3], $0xF7A  }
0x26: {  	[smem:$0x3F96] =	sst s1;
	(tag) =	ssettag s2;
	_ =	strace s9  }
0x27: {  	s1 =	sld [smem:$0x3FA6]  }
0x28: {  	s2 =	sld [smem:$0x3FA7]  }
0x29: {  	s4 =	sld [smem:$0x3FA9]  }
0x2a: {  	p0 =	seq.s32 s5, $0x0;
	s5 =	sld [smem:$0x3FAA]  }
0x2b: {  	s6 =	sld [smem:$0x3FAB]  }
0x2c: {  	s7 =	sld [smem:$0x3FAC]  }
0x2d: {  	s3 =	simm.s32 $0x108;
	s8 =	sld [smem:$0x3FAD]  }
0x2e: {  	s3 =	simm.s32 @!p0 $0x1082;
	s9 =	sld [smem:$0x3FAE]  }
0x2f: {  	lr =	sadd.s32 s0, s3;
	s0 =	sld [smem:$0x3FA5]  }
0x30: {  	s3 =	sld [smem:$0x3FA8]  }
0x31: {  	[smem:$0x3FB1] =	sst s10  }
0x32: {  	s10 =	sld [smem:$0x3FAF];
	_ =	sdelay $0x3  }
0x33: {  	p0 =	seq.s32 s10, $0x1;
	s10 =	sld [smem:$0x3FB1];
	_ =	sdelay $0x3  }
0x34: {  	[smem:$0x3FB1] =	sst s10  }
0x35: {  	s10 =	sld [smem:$0x3FB0];
	_ =	sdelay $0x3  }
0x36: {  	p1 =	seq.s32 s10, $0x1;
	s10 =	sld [smem:$0x3FB1];
	_ =	sdelay $0x3  }
0x37: {  	[smem:$0x3FB1] =	sst s10  }
0x38: {  	s10 =	sld [smem:$0x3FB2]  }
0x39: {  	_ = 	snop;
	(pc) =	sbr.ind lr, $3  }
0x3a: {  	_ = 	snop  }
0x3b: {  	_ = 	snop  }
0x3c: {  	p2 =	seq.s32 s10, $0x1;
	s10 =	sld [smem:$0x3FB1]  }
0x3d: {  	_ =	shalt  }
0x3e: {  	_ =	shalt  }
0x3f: {  	_ =	shalt  }
0x40: {  	_ =	shalt  }
0x41: {  	_ =	shalt  }
0x42: {  	_ =	shalt  }
0x43: {  	_ =	shalt  }
0x44: {  	_ =	shalt  }
0x45: {  	_ =	shalt  }
0x46: {  	_ =	shalt  }
0x47: {  	_ =	shalt  }
0x48: {  	_ =	shalt  }
0x49: {  	_ =	shalt  }
0x4a: {  	_ =	shalt  }
0x4b: {  	_ =	shalt  }
0x4c: {  	_ =	shalt  }
0x4d: {  	_ =	shalt  }
0x4e: {  	_ =	shalt  }
0x4f: {  	_ =	shalt  }
0x50: {  	_ =	shalt  }
0x51: {  	_ =	shalt  }
0x52: {  	_ =	shalt  }
0x53: {  	_ =	shalt  }
0x54: {  	_ =	shalt  }
0x55: {  	_ =	shalt  }
0x56: {  	_ =	shalt  }
0x57: {  	_ =	shalt  }
0x58: {  	_ =	shalt  }
0x59: {  	_ =	shalt  }
0x5a: {  	_ =	shalt  }
0x5b: {  	_ =	shalt  }
0x5c: {  	_ =	shalt  }
0x5d: {  	_ =	shalt  }
0x5e: {  	_ =	shalt  }
0x5f: {  	_ =	shalt  }
0x60: {  	_ =	shalt  }
0x61: {  	_ =	shalt  }
0x62: {  	_ =	shalt  }
0x63: {  	_ =	shalt  }
0x64: {  	_ =	shalt  }
0x65: {  	_ =	shalt  }
0x66: {  	_ =	shalt  }
0x67: {  	_ =	shalt  }
0x68: {  	_ =	shalt  }
0x69: {  	_ =	shalt  }
0x6a: {  	_ =	shalt  }
0x6b: {  	_ =	shalt  }
0x6c: {  	_ =	shalt  }
0x6d: {  	_ =	shalt  }
0x6e: {  	_ =	shalt  }
0x6f: {  	_ =	shalt  }
0x70: {  	_ =	shalt  }
0x71: {  	_ =	shalt  }
0x72: {  	_ =	shalt  }
0x73: {  	_ =	shalt  }
0x74: {  	_ =	shalt  }
0x75: {  	_ =	shalt  }
0x76: {  	_ =	shalt  }
0x77: {  	_ =	shalt  }
0x78: {  	_ =	shalt  }
0x79: {  	_ =	shalt  }
0x7a: {  	_ =	shalt  }
0x7b: {  	_ =	shalt  }
0x7c: {  	_ =	shalt  }
0x7d: {  	_ =	shalt  }
0x7e: {  	_ =	shalt  }
0x7f: {  	_ =	shalt  }
0x80: {  	_ =	shalt  }
0x81: {  	_ =	shalt  }
0x82: {  	_ =	shalt  }
0x83: {  	_ =	shalt  }
0x84: {  	_ =	shalt  }
0x85: {  	_ =	shalt  }
0x86: {  	_ =	shalt  }
0x87: {  	_ =	shalt  }
.Lfunc_end0:
.L_simem_size_0:
called_computation_lowered:
.L_overlay_start_0:
0x88: {  	s2 =	sld [smem:$0x3FD9]  }
0x89: {  	s3 =	sld [smem:$0x3FFE];
	_ =	sdelay $0x1  }
0x8a: {  	s1 =	srdreg.scid  }
0x8b: {  	s0 =	sand.u32 $0x1, s1  }
0x8c: {  	s17 =	sshll.u32 s0, $0xA;
	s2 =	sadd.s32 s3, s2  }
0x8d: {  	s2 =	sadd.s32 s2, s17  }
0x8e: {  	[smem:$0x3FBD] =	sst s2  }
0x8f: {  	_ = 	snop  }
0x90: {  	s2 =	sld [smem:$0x3FD0];
	(tm) =	ssettm $0x1  }
0x91: {  	s18 =	sld [smem:$0x3FFB];
	_ =	sdelay $0x3  }
0x92: {  	_ =	strace s18  }
0x93: {  	s3 =	sld [smem:$0x3FFC];
	_ =	sdelay $0x3  }
0x94: {  	_ =	strace s3  }
0x95: {  	s3 =	sld [smem:$0x3FFD];
	_ =	sdelay $0x3  }
0x96: {  	_ =	strace s3  }
0x97: {  	_ =	strace $0x8FFFFFFF  }
0x98: {  	s19 =	sld [smem:$0x3FDB];
	_ =	sdelay $0x1  }
0x99: {  	s4 =	simm.s32 $_scs_section_size  }
0x9a: {  	s5 =	simm.s32 $_size__tile_overlayer_lowered;
	s6 =	simm.s32 $_tile_overlayer_lowered  }
0x9b: {  	s22 =	simm.s32 $0x1BFF;
	s21 =	sshll.u32 s6, $0x1;
	s3 =	sadd.s32 s4, s19  }
0x9c: {  	s7 =	simm.s32 $0x0;
	s20 =	sshll.u32 s5, $0x1;
	s5 =	sadd.s32 s21, s3  }
0x9d: {  	[timem:s7], [sflag:s22] =	dma.local [hbm:s5], s20  }
0x9e: {  	_ =	swait.ge [sflag:s22], s20  }
0x9f: {  	s4 =	ssub.s32 $0x0, s20;
	[sflag:s22] =	ssyncset.done $0x0  }
0xa0: {  	[sflag:s22] =	ssyncadd.s32 s4;
	_ =	sdelay $0x1  }
0xa1: {  	s23 =	simm.s32 $0x1B8B  }
0xa2: {  	_ =	swait.ge [sflag:s23], $0x1  }
0xa3: {  	[sflag:s23] =	ssyncset.done $0x0  }
0xa4: {  	s25 =	simm.s32 $0x1B8E;
	s24 =	sld [smem:$0x3FFE];
	[sflag:s23] =	ssyncadd.s32 $0xFFFFFFFF  }
0xa5: {  	s26 =	simm.s32 $execute0_lowered;
	[smem:$0x3FD2] =	sst s25  }
0xa6: {  	s5 =	sshll.u32 s26, $0x1;
	_ =	strace $0x80000046;
	[dreg:$0x1] =	wrdreg $0xFFFFFFFF  }
0xa7: {  	s28 =	simm.s32 $_size_execute0_lowered;
	s3 =	sadd.s32 s3, s5;
	[dreg:$0x0] =	wrdreg $0x0  }
0xa8: {  	s5 =	sshll.u32 s28, $0x1;
	[dreg:$0x2] =	wrdreg s3  }
0xa9: {  	[dreg:$0x3] =	wrdreg s5  }
0xaa: {  	[dreg:$0x4] =	wrdreg $0xC0  }
0xab: {  	_ =	task [dreg:s7], $0x5FFFF  }
0xac: {  	[dreg:$0x1] =	wrdreg $0xFFFFFFFF  }
0xad: {  	[dreg:$0x0] =	wrdreg $0x60  }
0xae: {  	[dreg:$0x2] =	wrdreg s24  }
0xaf: {  	[dreg:$0x3] =	wrdreg s2  }
0xb0: {  	[dreg:$0x4] =	wrdreg $0x30000  }
0xb1: {  	[dreg:$0x5] =	wrdreg $0x9  }
0xb2: {  	_ =	task.clear_ibuf [dreg:s7], $0x6FFFF;
	_ =	strace $0x90000046  }
0xb3: {  	s29 =	simm.s32 $0x9;
	_ =	strace $0x80000048  }
0xb4: {  	_ =	swait.ge [sflag:s29], $0x1  }
0xb5: {  	[sflag:s29] =	ssyncadd.s32 $0xFFFFFFFF  }
0xb6: {  	_ =	strace $0x90000048  }
0xb7: {  	_ =	sfence  }
0xb8: {  	s30 =	sld [smem:$0x0];
	_ =	sdelay $0x2  }
0xb9: {  	s31 =	sshll.u32 s1, $0xD;
	s1 =	sshrl.u32 s1, $0x2  }
0xba: {  	s3 =	sand.u32 $0x4000, s31;
	s1 =	sadd.s32 s1, s30  }
0xbb: {  	s0 =	sor.u32 s3, s0;
	s1 =	sshll.u32 s1, $0x11  }
0xbc: {  	s0 =	sor.u32 s1, s0  }
0xbd: {  	s0 =	sadd.s32 $0x8F2B, s0  }
0xbe: {  	[sflag:s0] =	ssyncadd.remote.s32 $0x1  }
0xbf: {  	_ =	sfence.sel $0xFFFF  }
0xc0: {  	[dreg:$0x0] =	wrdreg $0xFFFFFFFF;
	(pc) =	sbr.abs _section_cstart, $3  }
0xc1: {  	[dreg:$0x1] =	wrdreg $0xFFFFFFFF  }
0xc2: {  	_ =	task.clear_ibuf [dreg:s7], $0x2FFFF;
	_ =	strace $0x9FFFFFFF  }
0xc3: {  	(tm) =	ssettm $0x7FFFFFFF  }
tec
execute0_lowered:
.L_overlay_start_1:
0x0: {  	(tag) =	ssettag $0x1  }
0x1: {  	s5 =	rddreg [dreg:$0x0]  }
0x2: {  	s0 =	srdreg.scid;
	s2 =	rddreg [dreg:$0x1]  }
0x3: {  	s3 =	rddreg [dreg:$0x2];
	s6 =	sand.u32 $0x1, s0  }
0x4: {  	s0 =	stileid.u32;
	s7 =	smul.u32 $0x28000, s6  }
0x5: {  	s1 =	rddreg [dreg:$0x3];
	s4 =	simm.s32 $0x0;
	s8 =	smul.u32 $0x2800, s0  }
0x6: {  	s13 =	simm.s32 $0x80;
	s14 =	simm.s32 $0x0;
	s9 =	smul.u32 $0x2780, s0  }
0x7: {  	[smem:$0x7FF] =	sst s4;
	s30 =	smul.u32 $0x27800, s6;
	s6 =	ssub.s32 $0x2, s6  }
0x8: {  	_ =	strace $0x80000047;
	s31 =	sshll.u32 s0, $0x6;
	s11 =	sshrl.u32 s6, $0x1  }
0x9: {  	s7 =	sadd.s32 s8, s7;
	s8 =	sadd.s32 s9, s30;
	s10 =	sshrl.u32 s9, $0x3  }
0xa: {  	s11 =	ssub.s32 s6, s11;
	s12 =	sadd.s32 s9, s3;
	s6 =	sor.u32 $0x1C01, s31  }
0xb: {  	s7 =	sshrl.u32 s7, $0x3;
	s8 =	sshrl.u32 s8, $0x3;
	s10 =	sadd.s32 s10, s5  }
0xc: {  	s9 =	smax.u32 s11, $0x1;
	s11 =	simm.s32 $0x1;
	s7 =	sadd.s32 s7, s5  }
0xd: {  	s8 =	sadd.s32 s8, s5;
	s5 =	sadd.s32 $0x16200, s10;
	s10 =	sshrl.u32 s12, $0x3  }
0xe: {  	s12 =	simm.s32 $0x2800;
	s7 =	sadd.s32 $0x2200, s7;
	s8 =	sadd.s32 $0x1B200, s8  }
.LBB2_1:
0xf: {  	[spmem:s10], [sflag:s6] =	dma.local [hbm:s5], $0x4F0  }
0x10: {  	_ =	swait.ge [sflag:s11], $0x4F0  }
0x11: {  	[sflag:s11] =	ssyncset.done $0x0  }
0x12: {  	[sflag:s11] =	ssyncadd.s32 $0xFFFFFB10  }
0x13: {  	[tilespmem:s12], [sflag:$0x1] =	stream.linear.gather [hbm4b:s2+s4], $0x800, $0x38;
	[tilespmem:$0x5780] =	vst v63  }
0x14: {  	_ =	swait.ge [sflag:s11], $0x800  }
0x15: {  	[sflag:s11] =	ssyncset.done $0x0  }
0x16: {  	[sflag:s11] =	ssyncadd.s32 $0xFFFFF800  }
0x17: {  	[tilespmem:s4], [sflag:$0x1] =	stream.linear.gather [hbm4b:s7+s4], $0x2800, $0x38;
	[tilespmem:$0x5780] =	vst v63  }
0x18: {  	_ =	swait.ge [sflag:s11], $0x2800  }
0x19: {  	[sflag:s11] =	ssyncset.done $0x0  }
0x1a: {  	[sflag:s11] =	ssyncadd.s32 $0xFFFFD800  }
0x1b: {  	s15 =	simm.s32 $0x0;
	[bflag:$0x0] =	sbarrier.arrive $0xFFFF  }
0x1c: {  	[spmem:s3] =	stream.indirect.scatter.add.f32 [tilespmem:s12], [sflag:$0x1], $0x10, s15, s13, $0xb8;
	[tilespmem:$0x5780] =	vst v63  }
0x1d: {  	_ =	swait.ge [sflag:s11], $0x800  }
0x1e: {  	s15 =	simm.s32 $0x200;
	[sflag:s11] =	ssyncset.done $0x0  }
.LBB2_2:
0x1f: {  	s16 =	sshra.s32 s15, $0x2;
	[sflag:s11] =	ssyncadd.s32 $0xFFFFF800;
	p0 =	sne.s32 s15, $0x9E00  }
0x20: {  	[spmem:s3] =	stream.indirect.scatter.add.f32 [tilespmem:s12], [sflag:$0x1], $0x10, s16, s13, $0xb8;
	[tilespmem:$0x5780] =	vst v63  }
.Ltmp0:
0x21: {  	_ = 	snop;
	(pc) =	sbr.rel @p0 .LBB2_2-.Ltmp0, $4  }
0x22: {  	_ = 	snop  }
0x23: {  	s15 =	sadd.s32 $0x200, s15  }
0x24: {  	_ =	swait.ge [sflag:s11], $0x800  }
0x25: {  	[sflag:s11] =	ssyncset.done $0x0  }
0x26: {  	s14 =	sadd.s32 $0x1, s14  }
0x27: {  	[sflag:s11] =	ssyncadd.s32 $0xFFFFF800;
	p0 =	sne.s32 s14, s9  }
.Ltmp1:
0x28: {  	[bflag:$0x0] =	sbarrier.arrive $0xFFFF;
	(pc) =	sbr.rel @p0 .LBB2_1-.Ltmp1, $4  }
0x29: {  	[hbm:s8], [sflag:s6] =	dma.local [spmem:s10], $0x4F0  }
0x2a: {  	_ =	swait.ge [sflag:s11], $0x4F0  }
0x2b: {  	[sflag:s11] =	ssyncset.done $0x0  }
0x2c: {  	[sflag:s11] =	ssyncadd.s32 $0xFFFFFB10  }
0x2d: {  	_ =	sfence.sel $0x180000  }
0x2e: {  	[bflag:$0x0] =	sbarrier.arrive $0xFFFF  }
0x2f: {  	p0 =	sne.s32 s0, $0x0;
	_ =	strace $0x90000047  }
0x30: {  	s0 =	sadd.s32 @!p0 $0x100000, s1;
	[bflag:$0x2] =	sbarrier.arrive $0xFFFF  }
0x31: {  	[sflag:s0] =	ssyncadd.tile.s32 @!p0 $0x1;
	_ =	shalt  }
.Lfunc_end2:
_tile_overlayer_lowered:
.L_overlay_start_2:
0x32: {  	(tag) =	ssettag $0x2  }
0x33: {  	s0 =	rddreg [dreg:$0x0];
	s2 =	stileid.u32  }
0x34: {  	s1 =	rddreg [dreg:$0x1];
	p0 =	sne.s32 s2, $0x0  }
0x35: {  	s3 =	rddreg [dreg:$0x2];
	[bflag:$0x3] =	sbarrier.arrive $0xFFFF;
	s2 =	simm.s32 @!p0 $0x1C01  }
0x36: {  	[timem:s3], [sflag:s2] =	dma.local @!p0 [hbm:s0], s1  }
0x37: {  	s0 =	simm.s32 @!p0 $0x1  }
0x38: {  	_ =	swait.ge @!p0 [sflag:s0], s1  }
0x39: {  	s1 =	ssub.s32 @!p0 $0x0, s1;
	[sflag:s0] =	ssyncset.done @!p0 $0x0  }
0x3a: {  	[sflag:s0] =	ssyncadd.s32 @!p0 s1  }
0x3b: {  	[bflag:$0x3] =	sbarrier.arrive $0xFFFF  }
0x3c: {  	_ =	shalt  }

</sc_bundles>
